<compile_context>
chip_gen: v7x
topology: tpu7x:2x2x1
jax: 0.10.2.dev20260603
libtpu: 0.0.44.dev20260713+nightly
codegen_flags: <defaults>
</compile_context>

<pallas_src>
import functools

import jax
import jax.numpy as jnp
from jax import lax
from jax.experimental import pallas as pl
from jax.experimental.pallas import tpu as pltpu
from jax.experimental.pallas import tpu_sc as plsc


def _dot(a, b, dims, precision=jax.lax.Precision.HIGHEST):
    return jax.lax.dot_general(a, b, dimension_numbers=(dims, ((), ())),
                               precision=precision,
                               preferred_element_type=jnp.float32)



def _dist_kernel(x_ref, wk_ref, wv_ref, d_ref, idx0_ref):
    N, C = x_ref.shape[1], x_ref.shape[2]
    B = 4
    pid = pl.program_id(0)
    kind = pid // B
    xb = x_ref[0]
    dflt = jax.lax.Precision.DEFAULT
    kb = _dot(xb, wk_ref[...], ((1,), (1,)), dflt)
    vb = _dot(xb, wv_ref[...], ((1,), (1,)), dflt)
    s0 = jnp.where(kind == 0, 1.0, 0.0)
    s1 = jnp.where(kind == 1, 1.0, 0.0)
    s2 = jnp.where(kind == 2, 1.0, 0.0)
    data = xb * s0 + kb * s1 + vb * s2

    xxc = jnp.sum(data * data, axis=1, keepdims=True)
    xxr = jnp.transpose(xxc)
    g = _dot(data, data, ((1,), (1,)))
    d_ref[0] = xxc + xxr - 2.0 * g

    bary = jnp.sum(data, axis=0, keepdims=True) / float(N)
    cc0 = jnp.sum(bary * bary, axis=1, keepdims=True)
    dd = _dot(data, bary, ((1,), (1,)))
    d0 = xxc - 2.0 * dd + cc0
    mx = jnp.max(d0, axis=0, keepdims=True)
    sub_iota = jax.lax.broadcasted_iota(jnp.int32, (N, 1), 0)
    cand = jnp.where(d0 == mx, sub_iota, jnp.int32(1 << 30))
    idx0 = jnp.min(cand, axis=0, keepdims=True)
    idx0_ref[...] = jnp.broadcast_to(idx0[:, :, None], (1, 1, 16))



_GDN = jax.lax.GatherDimensionNumbers(
    offset_dims=(), collapsed_slice_dims=(0,), start_index_map=(0,))


def _shuf(x, perm):
    return jax.lax.gather(x, perm[:, None], dimension_numbers=_GDN,
                          slice_sizes=(1,),
                          mode=jax.lax.GatherScatterMode.PROMISE_IN_BOUNDS)


def _sc_fps(dflat_hbm, idx0_hbm, sel_hbm, row_v, idx_v, idxbuf, sel_v, sem):
    NCHUNK = 32
    M = 64
    N = 512
    c = lax.axis_index("c")
    s = lax.axis_index("s")
    perc = 6

    lane = jax.lax.broadcasted_iota(jnp.int32, (16,), 0)
    lane_f = lane.astype(jnp.float32)
    mask0 = lane == 0
    BIGF = jnp.float32(1e10)
    BIGC = jnp.float32(1 << 22)
    perms = [lane ^ k for k in (1, 2, 4, 8)]

    def allmax(x):
        for p in perms:
            x = jnp.maximum(x, _shuf(x, p))
        return x

    def allmin(x):
        for p in perms:
            x = jnp.minimum(x, _shuf(x, p))
        return x

    @pl.when(s < perc)
    def _():
        j = c * perc + s
        pltpu.sync_copy(idx0_hbm.at[j, 0], idx_v)
        idx_b = idx_v[...]
        base = j * N

        def body(m, carry):
            idx_b, dist, sel = carry
            sel = tuple(
                jnp.where(lane == (m - 16 * sc), idx_b, sel[sc])
                for sc in range(4))
            idxbuf[...] = (idx_b + base) * 4 + (lane & 3)
            pltpu.async_copy(dflat_hbm.at[idxbuf], row_v, sem).wait()
            newd = []
            vmax = None
            for ch in range(NCHUNK):
                seg = row_v[ch // 8, pl.ds((ch % 8) * 16, 16)]
                dch = jnp.minimum(dist[ch], seg)
                newd.append(dch)
                vmax = dch if vmax is None else jnp.maximum(vmax, dch)
            mx_b = allmax(vmax)
            cand = None
            for ch in range(NCHUNK):
                cch = jnp.where(newd[ch] == mx_b, lane_f + float(ch * 16),
                                BIGC)
                cand = cch if cand is None else jnp.minimum(cand, cch)
            nidx = allmin(cand).astype(jnp.int32)
            return (nidx, tuple(newd), sel)

        dist0 = tuple(jnp.full((16,), BIGF) for _ in range(NCHUNK))
        sel0 = tuple(jnp.full((16,), 0, jnp.int32) for _ in range(4))
        _, _, sel = lax.fori_loop(0, M, body, (idx_b, dist0, sel0))
        for sc in range(4):
            sel_v[pl.ds(sc * 16, 16)] = sel[sc]
        pltpu.sync_copy(sel_v, sel_hbm.at[j])


@functools.partial(
    pl.kernel,
    out_type=jax.ShapeDtypeStruct((12, 64), jnp.int32),
    mesh=plsc.VectorSubcoreMesh(core_axis_name="c", subcore_axis_name="s"),
    scratch_types=[
        pltpu.VMEM((16, 128), jnp.float32),
        pltpu.VMEM((16,), jnp.int32),
        pltpu.VMEM((16,), jnp.int32),
        pltpu.VMEM((64,), jnp.int32),
        pltpu.SemaphoreType.DMA,
    ],
)
def _sc_fps_call(dflat_hbm, idx0_hbm, sel_hbm, row_v, idx_v, idxbuf, sel_v,
                 sem):
    _sc_fps(dflat_hbm, idx0_hbm, sel_hbm, row_v, idx_v, idxbuf, sel_v, sem)



def _finish_kernel(x_ref, sel_ref, wk_ref, wv_ref, wpe_ref, wsa1_ref,
                   wsa2_ref, out_ref):
    B, N, C = x_ref.shape
    M = 64
    J = 3 * B

    wk = wk_ref[...]
    wv = wv_ref[...]
    wpe = wpe_ref[...]
    dflt = jax.lax.Precision.DEFAULT
    cols = [x_ref[b] for b in range(B)]
    cols += [_dot(x_ref[b], wk, ((1,), (1,)), dflt) for b in range(B)]
    cols += [_dot(x_ref[b], wv, ((1,), (1,)), dflt) for b in range(B)]
    dataF = jnp.concatenate(cols, axis=1)

    sel_f = sel_ref[...].astype(jnp.float32)
    col_iota_n = jax.lax.broadcasted_iota(jnp.int32, (M, N), 1)
    m_iota = jax.lax.broadcasted_iota(jnp.int32, (M, M), 1)

    rows = []
    for j in range(J):
        sjT = sel_f[j:j + 1, :]
        sj = jnp.transpose(sjT)
        rank = jnp.sum(jnp.where(sjT < sj, 1.0, 0.0), axis=1, keepdims=True)
        pj = jnp.where(rank.astype(jnp.int32) == m_iota, 1.0, 0.0)
        srt = _dot(pj, sj, ((0,), (0,)))
        oh = jnp.where(srt.astype(jnp.int32) == col_iota_n, 1.0, 0.0)
        rows.append(_dot(oh, dataF[:, j * C:(j + 1) * C], ((1,), (0,))))

    w1 = wsa1_ref[...]
    wsa2 = wsa2_ref[...]
    for b in range(B):
        x_m, k_m, v_m = rows[b], rows[B + b], rows[2 * B + b]
        pem = _dot(x_m, wpe, ((1,), (1,)))
        bb = _dot(k_m + pem, w1, ((1,), (1,)))
        z = -bb
        z = z - jnp.max(z, axis=0, keepdims=True)
        e = jnp.exp(z)
        w = e / jnp.sum(e, axis=0, keepdims=True)
        sx = jnp.sum(x_ref[b], axis=0, keepdims=True)
        spex = _dot(sx, wpe, ((1,), (1,)))
        wsum = _dot(w, v_m - pem, ((0,), (0,)))
        r = spex + float(N) * wsum
        o = _dot(r, wsa2, ((1,), (1,)))
        out_ref[b] = jnp.broadcast_to(o, (N, C))


@jax.jit
def kernel(events_feature, Wq, Wk, Wv, Wpe, Wsa1, Wsa2):
    B, N, C = events_feature.shape
    J = 3 * B

    dmat, idx0 = pl.pallas_call(
        _dist_kernel,
        grid=(J,),
        in_specs=[
            pl.BlockSpec((1, N, C), lambda j: (j % 4, 0, 0)),
            pl.BlockSpec((C, C), lambda j: (0, 0)),
            pl.BlockSpec((C, C), lambda j: (0, 0)),
        ],
        out_specs=[
            pl.BlockSpec((1, N, N), lambda j: (j, 0, 0)),
            pl.BlockSpec((1, 1, 16), lambda j: (j, 0, 0)),
        ],
        out_shape=[
            jax.ShapeDtypeStruct((J, N, N), jnp.float32),
            jax.ShapeDtypeStruct((J, 1, 16), jnp.int32),
        ],
    )(events_feature, Wk, Wv)

    sel = _sc_fps_call(dmat.reshape(J * N * 4, N // 4), idx0)

    return pl.pallas_call(
        _finish_kernel,
        out_shape=jax.ShapeDtypeStruct((B, N, C), jnp.float32),
    )(events_feature, sel, Wk, Wv, Wpe, Wsa1, Wsa2)

# --- scband reference (transcript-rebuilt; emitter-appended) ---
"""Pipeline reference for scband-gxformer-7095285973746 (READ-ONLY COPY).

The authoritative reference and input builder live on the scoring server;
editing this copy changes nothing except your own understanding.
"""

import jax, jax.numpy as jnp
import numpy as np

B, N, C, Cn, M = 4, 512, 64, 64, 64


def fps(event, npoint):
    # Faithful port of farthest_point_sample_batch. The torch version marks selected
    # rows in a mask and then masked_select's them, which returns points sorted by
    # original index; we reproduce that by sorting the selected indices.
    Bs, Ns, Cs = event.shape
    bidx = jnp.arange(Bs)
    distance = jnp.full((Bs, Ns), 1e10, dtype=event.dtype)
    barycenter = jnp.sum(event, axis=1, keepdims=True) / event.shape[1]
    dist = jnp.sum((event - barycenter) ** 2, axis=-1)
    farthest = jnp.argmax(dist, axis=1)
    sel = []
    for _ in range(npoint):
        sel.append(farthest)
        centroid = event[bidx, farthest][:, None, :]
        dist = jnp.sum((event - centroid) ** 2, axis=-1)
        distance = jnp.minimum(distance, dist)
        farthest = jnp.argmax(distance, axis=-1)
    idx = jnp.sort(jnp.stack(sel, axis=1), axis=1)  # [B, npoint], sorted like masked_select
    return event[bidx[:, None], idx, :]


def setup_inputs(seed: int = 0) -> dict:
    key = jax.random.key(seed)
    ks = jax.random.split(key, 7)
    s = 1.0 / np.sqrt(C)
    s2 = 1.0 / np.sqrt(Cn)
    return {
        "events_feature": jax.random.normal(ks[0], (B, N, C), dtype=jnp.float32),
        "Wq": jax.random.uniform(ks[1], (Cn, C), jnp.float32, -s, s),
        "Wk": jax.random.uniform(ks[2], (Cn, C), jnp.float32, -s, s),
        "Wv": jax.random.uniform(ks[3], (Cn, C), jnp.float32, -s, s),
        "Wpe": jax.random.uniform(ks[4], (Cn, C), jnp.float32, -s, s),
        "Wsa1": jax.random.uniform(ks[5], (1, Cn), jnp.float32, -s2, s2),
        "Wsa2": jax.random.uniform(ks[6], (C, Cn), jnp.float32, -s2, s2),
    }


def reference(events_feature, Wq, Wk, Wv, Wpe, Wsa1, Wsa2):
    x = events_feature
    q = x @ Wq.T
    k = x @ Wk.T
    v = x @ Wv.T
    Bs, Ns, Cns = q.shape
    # position encoding: pairwise diff to M farthest-sampled points
    x_m = fps(x, M)                                   # [B, M, C]
    pe = x[:, :, None, :] - x_m[:, None, :, :]        # [B, N, M, C]
    pe = pe @ Wpe.T                                   # [B, N, M, Cn]
    k_m = fps(k, M)                                   # [B, M, Cn]
    v_m = fps(v, M)                                   # [B, M, Cn]
    sa = q[:, :, None, :] - k_m[:, None, :, :] + pe   # [B, N, M, Cn]
    sa = sa @ Wsa1.T                                  # [B, N, M, 1]
    sa = sa.reshape(Bs, 1, Ns, M)
    scores = jax.nn.softmax(sa, axis=-1)              # [B, 1, N, M]
    attn_vect = jnp.transpose(v_m[:, None, :, :] + pe, (0, 3, 2, 1))  # [B, Cn, M, N]
    p_attn = jnp.matmul(scores, attn_vect)            # broadcast -> [B, Cn, N, N]
    p_attn = jnp.sum(p_attn, axis=-1).reshape(Bs, Cns, Ns)
    p_attn = jnp.transpose(p_attn, (0, 2, 1))         # [B, N, Cn]
    out = p_attn @ Wsa2.T                             # [B, N, C]
    # dropout is identity in eval mode; layer_norm defined in __init__ but unused in forward
    return out

if __name__ == "__main__":
    import jax
    _d = setup_inputs()
    print(jax.jit(kernel)(*tuple(_d.values())))

</pallas_src>

<mosaic_0001>
#map = affine_map<(d0, d1) -> (0, 0)>
#map1 = affine_map<(d0, d1) -> (0, 0, 0)>
module attributes {stable_mosaic.version = 14 : i64} {
  func.func @_sc_fps_call(%arg0: i32, %arg1: i32, %arg2: memref<24576x128xf32, #tpu.memory_space<hbm>>, %arg3: memref<12x1x16xi32, #tpu.memory_space<hbm>>, %arg4: memref<12x64xi32, #tpu.memory_space<hbm>>, %arg5: memref<16x128xf32, #tpu.memory_space<vmem>>, %arg6: memref<16xi32, #tpu.memory_space<vmem>>, %arg7: memref<16xi32, #tpu.memory_space<vmem>>, %arg8: memref<64xi32, #tpu.memory_space<vmem>>, %arg9: memref<!tpu.dma_semaphore, #tpu.memory_space<semaphore_mem>>) attributes {dimension_semantics = [#tpu.dimension_semantics<core_parallel>, #tpu.dimension_semantics<subcore_parallel>], iteration_bounds = array<i64: 2, 16>, scalar_prefetch = 0 : i64, scratch_operands = 5 : i64, tpu.core_type = #tpu.core_type<sc_vector_subcore>, window_params = [{transform_indices = #map}, {transform_indices = #map1}, {transform_indices = #map}]} {
    %iota3A = tpu.iota {dimensions = array<i32: 0>} : vector<16xi32>
    %convert_element_type3A = arith.sitofp %iota3A : vector<16xi32> to vector<16xf32>
    %eq3A = arith.constant 0 : i32
    %eq3A_0 = vector.broadcast %eq3A : i32 to vector<16xi32>
    %eq3A_1 = arith.cmpi eq, %iota3A, %eq3A_0 : vector<16xi32>
    %xor3A = arith.constant 1 : i32
    %xor3A_2 = vector.broadcast %xor3A : i32 to vector<16xi32>
    %xor3A_3 = arith.xori %iota3A, %xor3A_2 : vector<16xi32>
    %xor3A_4 = arith.constant 2 : i32
    %xor3A_5 = vector.broadcast %xor3A_4 : i32 to vector<16xi32>
    %xor3A_6 = arith.xori %iota3A, %xor3A_5 : vector<16xi32>
    %xor3A_7 = arith.constant 4 : i32
    %xor3A_8 = vector.broadcast %xor3A_7 : i32 to vector<16xi32>
    %xor3A_9 = arith.xori %iota3A, %xor3A_8 : vector<16xi32>
    %xor3A_10 = arith.constant 8 : i32
    %xor3A_11 = vector.broadcast %xor3A_10 : i32 to vector<16xi32>
    %xor3A_12 = arith.xori %iota3A, %xor3A_11 : vector<16xi32>
    %lt3A = arith.constant 6 : i32
    %lt3A_13 = arith.cmpi slt, %arg1, %lt3A : i32
    %convert_element_type3A_14 = arith.extui %lt3A_13 : i1 to i32
    %cond3A = arith.constant 1.000000e+10 : f32
    %cond3A_15 = arith.constant 0x4A800000 : f32
    %cond3A_16 = arith.constant 0 : i32
    %cond3A_17 = arith.cmpi ne, %convert_element_type3A_14, %cond3A_16 : i32
    scf.if %cond3A_17 {
      %mul3A = arith.constant 6 : i32
      %mul3A_18 = arith.muli %arg0, %mul3A : i32
      %add3A = arith.addi %mul3A_18, %arg1 : i32
      %run_scoped3A = arith.constant 0 : i32
      "tpu.region"() ({
        %run_scoped3A_82 = tpu.sem_alloc : memref<!tpu.dma_semaphore, #tpu.memory_space<semaphore_mem>>
        %dma_start3A = arith.constant 0 : i32
        %dma_start3A_83 = tpu.memref_slice %arg3[%add3A, %run_scoped3A, %dma_start3A] : memref<12x1x16xi32, #tpu.memory_space<hbm>> -> memref<1x1x16xi32, #tpu.memory_space<hbm>>
        %dma_start3A_84 = tpu.memref_squeeze %dma_start3A_83 : memref<1x1x16xi32, #tpu.memory_space<hbm>> -> memref<16xi32, #tpu.memory_space<hbm>>
        %dma_start3A_85 = arith.constant 0 : i32
        %dma_start3A_86 = tpu.memref_slice %arg3[%add3A, %run_scoped3A, %dma_start3A_85] : memref<12x1x16xi32, #tpu.memory_space<hbm>> -> memref<1x1x16xi32, #tpu.memory_space<hbm>>
        %dma_start3A_87 = tpu.memref_squeeze %dma_start3A_86 : memref<1x1x16xi32, #tpu.memory_space<hbm>> -> memref<16xi32, #tpu.memory_space<hbm>>
        tpu.enqueue_dma source(%dma_start3A_87 : memref<16xi32, #tpu.memory_space<hbm>>) target(%arg6 : memref<16xi32, #tpu.memory_space<vmem>>) target_semaphore(%run_scoped3A_82 : memref<!tpu.dma_semaphore, #tpu.memory_space<semaphore_mem>>)
        %dma_wait3A = arith.constant 0 : i32
        %dma_wait3A_88 = tpu.memref_slice %arg3[%add3A, %run_scoped3A, %dma_wait3A] : memref<12x1x16xi32, #tpu.memory_space<hbm>> -> memref<1x1x16xi32, #tpu.memory_space<hbm>>
        %dma_wait3A_89 = tpu.memref_squeeze %dma_wait3A_88 : memref<1x1x16xi32, #tpu.memory_space<hbm>> -> memref<16xi32, #tpu.memory_space<hbm>>
        %dma_wait3A_90 = arith.constant 0 : i32
        %dma_wait3A_91 = tpu.memref_slice %arg3[%add3A, %run_scoped3A, %dma_wait3A_90] : memref<12x1x16xi32, #tpu.memory_space<hbm>> -> memref<1x1x16xi32, #tpu.memory_space<hbm>>
        %dma_wait3A_92 = tpu.memref_squeeze %dma_wait3A_91 : memref<1x1x16xi32, #tpu.memory_space<hbm>> -> memref<16xi32, #tpu.memory_space<hbm>>
        tpu.wait_dma2 semaphore(%run_scoped3A_82 : memref<!tpu.dma_semaphore, #tpu.memory_space<semaphore_mem>>) src(%dma_wait3A_92 : memref<16xi32, #tpu.memory_space<hbm>>) dst(%arg6 : memref<16xi32, #tpu.memory_space<vmem>>)
        tpu.yield
      }) : () -> ()
      %get3A = arith.constant 0 : index
      %get3A_19 = tpu.vector_load %arg6[%get3A] {strides = array<i32>} : memref<16xi32, #tpu.memory_space<vmem>>, vector<16xi32>,
      %get3A_20 = vector.shape_cast %get3A_19 : vector<16xi32> to vector<16xi32>
      %mul3A_21 = arith.constant 512 : i32
      %mul3A_22 = arith.muli %add3A, %mul3A_21 : i32
      %broadcast_in_dim3A = vector.broadcast %cond3A : f32 to vector<16xf32>
      %broadcast_in_dim3A_23 = vector.broadcast %cond3A : f32 to vector<16xf32>
      %broadcast_in_dim3A_24 = vector.broadcast %cond3A : f32 to vector<16xf32>
      %broadcast_in_dim3A_25 = vector.broadcast %cond3A : f32 to vector<16xf32>
      %broadcast_in_dim3A_26 = vector.broadcast %cond3A : f32 to vector<16xf32>
      %broadcast_in_dim3A_27 = vector.broadcast %cond3A : f32 to vector<16xf32>
      %broadcast_in_dim3A_28 = vector.broadcast %cond3A : f32 to vector<16xf32>
      %broadcast_in_dim3A_29 = vector.broadcast %cond3A : f32 to vector<16xf32>
      %broadcast_in_dim3A_30 = vector.broadcast %cond3A : f32 to vector<16xf32>
      %broadcast_in_dim3A_31 = vector.broadcast %cond3A : f32 to vector<16xf32>
      %broadcast_in_dim3A_32 = vector.broadcast %cond3A : f32 to vector<16xf32>
      %broadcast_in_dim3A_33 = vector.broadcast %cond3A : f32 to vector<16xf32>
      %broadcast_in_dim3A_34 = vector.broadcast %cond3A : f32 to vector<16xf32>
      %broadcast_in_dim3A_35 = vector.broadcast %cond3A : f32 to vector<16xf32>
      %broadcast_in_dim3A_36 = vector.broadcast %cond3A : f32 to vector<16xf32>
      %broadcast_in_dim3A_37 = vector.broadcast %cond3A : f32 to vector<16xf32>
      %broadcast_in_dim3A_38 = vector.broadcast %cond3A : f32 to vector<16xf32>
      %broadcast_in_dim3A_39 = vector.broadcast %cond3A : f32 to vector<16xf32>
      %broadcast_in_dim3A_40 = vector.broadcast %cond3A : f32 to vector<16xf32>
      %broadcast_in_dim3A_41 = vector.broadcast %cond3A : f32 to vector<16xf32>
      %broadcast_in_dim3A_42 = vector.broadcast %cond3A : f32 to vector<16xf32>
      %broadcast_in_dim3A_43 = vector.broadcast %cond3A : f32 to vector<16xf32>
      %broadcast_in_dim3A_44 = vector.broadcast %cond3A : f32 to vector<16xf32>
      %broadcast_in_dim3A_45 = vector.broadcast %cond3A : f32 to vector<16xf32>
      %broadcast_in_dim3A_46 = vector.broadcast %cond3A : f32 to vector<16xf32>
      %broadcast_in_dim3A_47 = vector.broadcast %cond3A : f32 to vector<16xf32>
      %broadcast_in_dim3A_48 = vector.broadcast %cond3A : f32 to vector<16xf32>
      %broadcast_in_dim3A_49 = vector.broadcast %cond3A : f32 to vector<16xf32>
      %broadcast_in_dim3A_50 = vector.broadcast %cond3A : f32 to vector<16xf32>
      %broadcast_in_dim3A_51 = vector.broadcast %cond3A : f32 to vector<16xf32>
      %broadcast_in_dim3A_52 = vector.broadcast %cond3A : f32 to vector<16xf32>
      %broadcast_in_dim3A_53 = vector.broadcast %cond3A : f32 to vector<16xf32>
      %broadcast_in_dim3A_54 = arith.constant 0 : i32
      %broadcast_in_dim3A_55 = vector.broadcast %broadcast_in_dim3A_54 : i32 to vector<16xi32>
      %broadcast_in_dim3A_56 = arith.constant 0 : i32
      %broadcast_in_dim3A_57 = vector.broadcast %broadcast_in_dim3A_56 : i32 to vector<16xi32>
      %broadcast_in_dim3A_58 = arith.constant 0 : i32
      %broadcast_in_dim3A_59 = vector.broadcast %broadcast_in_dim3A_58 : i32 to vector<16xi32>
      %broadcast_in_dim3A_60 = arith.constant 0 : i32
      %broadcast_in_dim3A_61 = vector.broadcast %broadcast_in_dim3A_60 : i32 to vector<16xi32>
      %scan3A = arith.constant 0 : i32
      %scan3A_62 = arith.constant 64 : i32
      %scan3A_63 = arith.addi %scan3A, %scan3A_62 : i32
      %scan3A_64 = arith.constant 1 : i32
      %scan3A_65:37 = scf.for %scan3A_82 = %scan3A to %scan3A_63 step %scan3A_64 iter_args(%scan3A_83 = %get3A_20, %scan3A_84 = %broadcast_in_dim3A, %scan3A_85 = %broadcast_in_dim3A_23, %scan3A_86 = %broadcast_in_dim3A_24, %scan3A_87 = %broadcast_in_dim3A_25, %scan3A_88 = %broadcast_in_dim3A_26, %scan3A_89 = %broadcast_in_dim3A_27, %scan3A_90 = %broadcast_in_dim3A_28, %scan3A_91 = %broadcast_in_dim3A_29, %scan3A_92 = %broadcast_in_dim3A_30, %scan3A_93 = %broadcast_in_dim3A_31, %scan3A_94 = %broadcast_in_dim3A_32, %scan3A_95 = %broadcast_in_dim3A_33, %scan3A_96 = %broadcast_in_dim3A_34, %scan3A_97 = %broadcast_in_dim3A_35, %scan3A_98 = %broadcast_in_dim3A_36, %scan3A_99 = %broadcast_in_dim3A_37, %scan3A_100 = %broadcast_in_dim3A_38, %scan3A_101 = %broadcast_in_dim3A_39, %scan3A_102 = %broadcast_in_dim3A_40, %scan3A_103 = %broadcast_in_dim3A_41, %scan3A_104 = %broadcast_in_dim3A_42, %scan3A_105 = %broadcast_in_dim3A_43, %scan3A_106 = %broadcast_in_dim3A_44, %scan3A_107 = %broadcast_in_dim3A_45, %scan3A_108 = %broadcast_in_dim3A_46, %scan3A_109 = %broadcast_in_dim3A_47, %scan3A_110 = %broadcast_in_dim3A_48, %scan3A_111 = %broadcast_in_dim3A_49, %scan3A_112 = %broadcast_in_dim3A_50, %scan3A_113 = %broadcast_in_dim3A_51, %scan3A_114 = %broadcast_in_dim3A_52, %scan3A_115 = %broadcast_in_dim3A_53, %scan3A_116 = %broadcast_in_dim3A_55, %scan3A_117 = %broadcast_in_dim3A_57, %scan3A_118 = %broadcast_in_dim3A_59, %scan3A_119 = %broadcast_in_dim3A_61) -> (vector<16xi32>, vector<16xf32>, vector<16xf32>, vector<16xf32>, vector<16xf32>, vector<16xf32>, vector<16xf32>, vector<16xf32>, vector<16xf32>, vector<16xf32>, vector<16xf32>, vector<16xf32>, vector<16xf32>, vector<16xf32>, vector<16xf32>, vector<16xf32>, vector<16xf32>, vector<16xf32>, vector<16xf32>, vector<16xf32>, vector<16xf32>, vector<16xf32>, vector<16xf32>, vector<16xf32>, vector<16xf32>, vector<16xf32>, vector<16xf32>, vector<16xf32>, vector<16xf32>, vector<16xf32>, vector<16xf32>, vector<16xf32>, vector<16xf32>, vector<16xi32>, vector<16xi32>, vector<16xi32>, vector<16xi32>)  : i32 {
        %sub3A = arith.constant 0 : i32
        %sub3A_120 = arith.subi %scan3A_82, %sub3A : i32
        %eq3A_121 = vector.broadcast %sub3A_120 : i32 to vector<16xi32>
        %eq3A_122 = arith.cmpi eq, %iota3A, %eq3A_121 : vector<16xi32>
        %select_n3A = arith.select %eq3A_122, %scan3A_83, %scan3A_116 : vector<16xi1>, vector<16xi32>
        %sub3A_123 = arith.constant 16 : i32
        %sub3A_124 = arith.subi %scan3A_82, %sub3A_123 : i32
        %eq3A_125 = vector.broadcast %sub3A_124 : i32 to vector<16xi32>
        %eq3A_126 = arith.cmpi eq, %iota3A, %eq3A_125 : vector<16xi32>
        %select_n3A_127 = arith.select %eq3A_126, %scan3A_83, %scan3A_117 : vector<16xi1>, vector<16xi32>
        %sub3A_128 = arith.constant 32 : i32
        %sub3A_129 = arith.subi %scan3A_82, %sub3A_128 : i32
        %eq3A_130 = vector.broadcast %sub3A_129 : i32 to vector<16xi32>
        %eq3A_131 = arith.cmpi eq, %iota3A, %eq3A_130 : vector<16xi32>
        %select_n3A_132 = arith.select %eq3A_131, %scan3A_83, %scan3A_118 : vector<16xi1>, vector<16xi32>
        %sub3A_133 = arith.constant 48 : i32
        %sub3A_134 = arith.subi %scan3A_82, %sub3A_133 : i32
        %eq3A_135 = vector.broadcast %sub3A_134 : i32 to vector<16xi32>
        %eq3A_136 = arith.cmpi eq, %iota3A, %eq3A_135 : vector<16xi32>
        %select_n3A_137 = arith.select %eq3A_136, %scan3A_83, %scan3A_119 : vector<16xi1>, vector<16xi32>
        %add3A_138 = vector.broadcast %mul3A_22 : i32 to vector<16xi32>
        %add3A_139 = arith.addi %scan3A_83, %add3A_138 : vector<16xi32>
        %mul3A_140 = arith.constant 4 : i32
        %mul3A_141 = vector.broadcast %mul3A_140 : i32 to vector<16xi32>
        %mul3A_142 = arith.muli %add3A_139, %mul3A_141 : vector<16xi32>
        %and3A = arith.constant 3 : i32
        %and3A_143 = vector.broadcast %and3A : i32 to vector<16xi32>
        %and3A_144 = arith.andi %iota3A, %and3A_143 : vector<16xi32>
        %add3A_145 = arith.addi %mul3A_142, %and3A_144 : vector<16xi32>
        %swap3A_146 = arith.constant 0 : index
        %swap3A_147 = tpu.vector_load %arg7[%swap3A_146] {strides = array<i32>} : memref<16xi32, #tpu.memory_space<vmem>>, vector<16xi32>,
        %swap3A_148 = vector.shape_cast %swap3A_147 : vector<16xi32> to vector<16xi32>
        %swap3A_149 = vector.shape_cast %add3A_145 : vector<16xi32> to vector<16xi32>
        tpu.vector_store %arg7[%swap3A_146], %swap3A_149 {strides = array<i32>} : memref<16xi32, #tpu.memory_space<vmem>>, vector<16xi32>,
        %dma_start3A = arith.constant 0 : i32
        %dma_start3A_150 = arith.constant 0 : i32
        %dma_start3A_151 = tpu.memref_slice %arg2[%dma_start3A, %dma_start3A_150] : memref<24576x128xf32, #tpu.memory_space<hbm>> -> memref<24576x128xf32, #tpu.memory_space<hbm>>
        tpu.enqueue_indirect_dma source(%dma_start3A_151 : memref<24576x128xf32, #tpu.memory_space<hbm>>) target(%arg5 : memref<16x128xf32, #tpu.memory_space<vmem>>) offsets(%arg7 : memref<16xi32, #tpu.memory_space<vmem>>) semaphore(%arg9 : memref<!tpu.dma_semaphore, #tpu.memory_space<semaphore_mem>>)
        %dma_wait3A = arith.constant 0 : i32
        %dma_wait3A_152 = arith.constant 0 : i32
        %dma_wait3A_153 = tpu.memref_slice %arg2[%dma_wait3A, %dma_wait3A_152] : memref<24576x128xf32, #tpu.memory_space<hbm>> -> memref<24576x128xf32, #tpu.memory_space<hbm>>
        tpu.wait_indirect_dma semaphore(%arg9 : memref<!tpu.dma_semaphore, #tpu.memory_space<semaphore_mem>>) src(%dma_wait3A_153 : memref<24576x128xf32, #tpu.memory_space<hbm>>) dst(%arg5 : memref<16x128xf32, #tpu.memory_space<vmem>>)
        %get3A_154 = arith.constant 0 : i32
        %get3A_155 = arith.index_cast %get3A_154 : i32 to index
        %get3A_156 = arith.constant 0 : index
        %get3A_157 = tpu.vector_load %arg5[%get3A_155, %get3A_156] {strides = array<i32>} : memref<16x128xf32, #tpu.memory_space<vmem>>, vector<1x16xf32>,
        %get3A_158 = vector.shape_cast %get3A_157 : vector<1x16xf32> to vector<16xf32>
        %min3A = arith.minimumf %scan3A_84, %get3A_158 : vector<16xf32>
        %get3A_159 = arith.constant 0 : i32
        %get3A_160 = arith.index_cast %get3A_159 : i32 to index
        %get3A_161 = arith.constant 16 : index
        %get3A_162 = tpu.vector_load %arg5[%get3A_160, %get3A_161] {strides = array<i32>} : memref<16x128xf32, #tpu.memory_space<vmem>>, vector<1x16xf32>,
        %get3A_163 = vector.shape_cast %get3A_162 : vector<1x16xf32> to vector<16xf32>
        %min3A_164 = arith.minimumf %scan3A_85, %get3A_163 : vector<16xf32>
        %max3A = arith.maximumf %min3A, %min3A_164 : vector<16xf32>
        %get3A_165 = arith.constant 0 : i32
        %get3A_166 = arith.index_cast %get3A_165 : i32 to index
        %get3A_167 = arith.constant 32 : index
        %get3A_168 = tpu.vector_load %arg5[%get3A_166, %get3A_167] {strides = array<i32>} : memref<16x128xf32, #tpu.memory_space<vmem>>, vector<1x16xf32>,
        %get3A_169 = vector.shape_cast %get3A_168 : vector<1x16xf32> to vector<16xf32>
        %min3A_170 = arith.minimumf %scan3A_86, %get3A_169 : vector<16xf32>
        %max3A_171 = arith.maximumf %max3A, %min3A_170 : vector<16xf32>
        %get3A_172 = arith.constant 0 : i32
        %get3A_173 = arith.index_cast %get3A_172 : i32 to index
        %get3A_174 = arith.constant 48 : index
        %get3A_175 = tpu.vector_load %arg5[%get3A_173, %get3A_174] {strides = array<i32>} : memref<16x128xf32, #tpu.memory_space<vmem>>, vector<1x16xf32>,
        %get3A_176 = vector.shape_cast %get3A_175 : vector<1x16xf32> to vector<16xf32>
        %min3A_177 = arith.minimumf %scan3A_87, %get3A_176 : vector<16xf32>
        %max3A_178 = arith.maximumf %max3A_171, %min3A_177 : vector<16xf32>
        %get3A_179 = arith.constant 0 : i32
        %get3A_180 = arith.index_cast %get3A_179 : i32 to index
        %get3A_181 = arith.constant 64 : index
        %get3A_182 = tpu.vector_load %arg5[%get3A_180, %get3A_181] {strides = array<i32>} : memref<16x128xf32, #tpu.memory_space<vmem>>, vector<1x16xf32>,
        %get3A_183 = vector.shape_cast %get3A_182 : vector<1x16xf32> to vector<16xf32>
        %min3A_184 = arith.minimumf %scan3A_88, %get3A_183 : vector<16xf32>
        %max3A_185 = arith.maximumf %max3A_178, %min3A_184 : vector<16xf32>
        %get3A_186 = arith.constant 0 : i32
        %get3A_187 = arith.index_cast %get3A_186 : i32 to index
        %get3A_188 = arith.constant 80 : index
        %get3A_189 = tpu.vector_load %arg5[%get3A_187, %get3A_188] {strides = array<i32>} : memref<16x128xf32, #tpu.memory_space<vmem>>, vector<1x16xf32>,
        %get3A_190 = vector.shape_cast %get3A_189 : vector<1x16xf32> to vector<16xf32>
        %min3A_191 = arith.minimumf %scan3A_89, %get3A_190 : vector<16xf32>
        %max3A_192 = arith.maximumf %max3A_185, %min3A_191 : vector<16xf32>
        %get3A_193 = arith.constant 0 : i32
        %get3A_194 = arith.index_cast %get3A_193 : i32 to index
        %get3A_195 = arith.constant 96 : index
        %get3A_196 = tpu.vector_load %arg5[%get3A_194, %get3A_195] {strides = array<i32>} : memref<16x128xf32, #tpu.memory_space<vmem>>, vector<1x16xf32>,
        %get3A_197 = vector.shape_cast %get3A_196 : vector<1x16xf32> to vector<16xf32>
        %min3A_198 = arith.minimumf %scan3A_90, %get3A_197 : vector<16xf32>
        %max3A_199 = arith.maximumf %max3A_192, %min3A_198 : vector<16xf32>
        %get3A_200 = arith.constant 0 : i32
        %get3A_201 = arith.index_cast %get3A_200 : i32 to index
        %get3A_202 = arith.constant 112 : index
        %get3A_203 = tpu.vector_load %arg5[%get3A_201, %get3A_202] {strides = array<i32>} : memref<16x128xf32, #tpu.memory_space<vmem>>, vector<1x16xf32>,
        %get3A_204 = vector.shape_cast %get3A_203 : vector<1x16xf32> to vector<16xf32>
        %min3A_205 = arith.minimumf %scan3A_91, %get3A_204 : vector<16xf32>
        %max3A_206 = arith.maximumf %max3A_199, %min3A_205 : vector<16xf32>
        %get3A_207 = arith.constant 1 : i32
        %get3A_208 = arith.index_cast %get3A_207 : i32 to index
        %get3A_209 = arith.constant 0 : index
        %get3A_210 = tpu.vector_load %arg5[%get3A_208, %get3A_209] {strides = array<i32>} : memref<16x128xf32, #tpu.memory_space<vmem>>, vector<1x16xf32>,
        %get3A_211 = vector.shape_cast %get3A_210 : vector<1x16xf32> to vector<16xf32>
        %min3A_212 = arith.minimumf %scan3A_92, %get3A_211 : vector<16xf32>
        %max3A_213 = arith.maximumf %max3A_206, %min3A_212 : vector<16xf32>
        %get3A_214 = arith.constant 1 : i32
        %get3A_215 = arith.index_cast %get3A_214 : i32 to index
        %get3A_216 = arith.constant 16 : index
        %get3A_217 = tpu.vector_load %arg5[%get3A_215, %get3A_216] {strides = array<i32>} : memref<16x128xf32, #tpu.memory_space<vmem>>, vector<1x16xf32>,
        %get3A_218 = vector.shape_cast %get3A_217 : vector<1x16xf32> to vector<16xf32>
        %min3A_219 = arith.minimumf %scan3A_93, %get3A_218 : vector<16xf32>
        %max3A_220 = arith.maximumf %max3A_213, %min3A_219 : vector<16xf32>
        %get3A_221 = arith.constant 1 : i32
        %get3A_222 = arith.index_cast %get3A_221 : i32 to index
        %get3A_223 = arith.constant 32 : index
        %get3A_224 = tpu.vector_load %arg5[%get3A_222, %get3A_223] {strides = array<i32>} : memref<16x128xf32, #tpu.memory_space<vmem>>, vector<1x16xf32>,
        %get3A_225 = vector.shape_cast %get3A_224 : vector<1x16xf32> to vector<16xf32>
        %min3A_226 = arith.minimumf %scan3A_94, %get3A_225 : vector<16xf32>
        %max3A_227 = arith.maximumf %max3A_220, %min3A_226 : vector<16xf32>
        %get3A_228 = arith.constant 1 : i32
        %get3A_229 = arith.index_cast %get3A_228 : i32 to index
        %get3A_230 = arith.constant 48 : index
        %get3A_231 = tpu.vector_load %arg5[%get3A_229, %get3A_230] {strides = array<i32>} : memref<16x128xf32, #tpu.memory_space<vmem>>, vector<1x16xf32>,
        %get3A_232 = vector.shape_cast %get3A_231 : vector<1x16xf32> to vector<16xf32>
        %min3A_233 = arith.minimumf %scan3A_95, %get3A_232 : vector<16xf32>
        %max3A_234 = arith.maximumf %max3A_227, %min3A_233 : vector<16xf32>
        %get3A_235 = arith.constant 1 : i32
        %get3A_236 = arith.index_cast %get3A_235 : i32 to index
        %get3A_237 = arith.constant 64 : index
        %get3A_238 = tpu.vector_load %arg5[%get3A_236, %get3A_237] {strides = array<i32>} : memref<16x128xf32, #tpu.memory_space<vmem>>, vector<1x16xf32>,
        %get3A_239 = vector.shape_cast %get3A_238 : vector<1x16xf32> to vector<16xf32>
        %min3A_240 = arith.minimumf %scan3A_96, %get3A_239 : vector<16xf32>
        %max3A_241 = arith.maximumf %max3A_234, %min3A_240 : vector<16xf32>
        %get3A_242 = arith.constant 1 : i32
        %get3A_243 = arith.index_cast %get3A_242 : i32 to index
        %get3A_244 = arith.constant 80 : index
        %get3A_245 = tpu.vector_load %arg5[%get3A_243, %get3A_244] {strides = array<i32>} : memref<16x128xf32, #tpu.memory_space<vmem>>, vector<1x16xf32>,
        %get3A_246 = vector.shape_cast %get3A_245 : vector<1x16xf32> to vector<16xf32>
        %min3A_247 = arith.minimumf %scan3A_97, %get3A_246 : vector<16xf32>
        %max3A_248 = arith.maximumf %max3A_241, %min3A_247 : vector<16xf32>
        %get3A_249 = arith.constant 1 : i32
        %get3A_250 = arith.index_cast %get3A_249 : i32 to index
        %get3A_251 = arith.constant 96 : index
        %get3A_252 = tpu.vector_load %arg5[%get3A_250, %get3A_251] {strides = array<i32>} : memref<16x128xf32, #tpu.memory_space<vmem>>, vector<1x16xf32>,
        %get3A_253 = vector.shape_cast %get3A_252 : vector<1x16xf32> to vector<16xf32>
        %min3A_254 = arith.minimumf %scan3A_98, %get3A_253 : vector<16xf32>
        %max3A_255 = arith.maximumf %max3A_248, %min3A_254 : vector<16xf32>
        %get3A_256 = arith.constant 1 : i32
        %get3A_257 = arith.index_cast %get3A_256 : i32 to index
        %get3A_258 = arith.constant 112 : index
        %get3A_259 = tpu.vector_load %arg5[%get3A_257, %get3A_258] {strides = array<i32>} : memref<16x128xf32, #tpu.memory_space<vmem>>, vector<1x16xf32>,
        %get3A_260 = vector.shape_cast %get3A_259 : vector<1x16xf32> to vector<16xf32>
        %min3A_261 = arith.minimumf %scan3A_99, %get3A_260 : vector<16xf32>
        %max3A_262 = arith.maximumf %max3A_255, %min3A_261 : vector<16xf32>
        %get3A_263 = arith.constant 2 : i32
        %get3A_264 = arith.index_cast %get3A_263 : i32 to index
        %get3A_265 = arith.constant 0 : index
        %get3A_266 = tpu.vector_load %arg5[%get3A_264, %get3A_265] {strides = array<i32>} : memref<16x128xf32, #tpu.memory_space<vmem>>, vector<1x16xf32>,
        %get3A_267 = vector.shape_cast %get3A_266 : vector<1x16xf32> to vector<16xf32>
        %min3A_268 = arith.minimumf %scan3A_100, %get3A_267 : vector<16xf32>
        %max3A_269 = arith.maximumf %max3A_262, %min3A_268 : vector<16xf32>
        %get3A_270 = arith.constant 2 : i32
        %get3A_271 = arith.index_cast %get3A_270 : i32 to index
        %get3A_272 = arith.constant 16 : index
        %get3A_273 = tpu.vector_load %arg5[%get3A_271, %get3A_272] {strides = array<i32>} : memref<16x128xf32, #tpu.memory_space<vmem>>, vector<1x16xf32>,
        %get3A_274 = vector.shape_cast %get3A_273 : vector<1x16xf32> to vector<16xf32>
        %min3A_275 = arith.minimumf %scan3A_101, %get3A_274 : vector<16xf32>
        %max3A_276 = arith.maximumf %max3A_269, %min3A_275 : vector<16xf32>
        %get3A_277 = arith.constant 2 : i32
        %get3A_278 = arith.index_cast %get3A_277 : i32 to index
        %get3A_279 = arith.constant 32 : index
        %get3A_280 = tpu.vector_load %arg5[%get3A_278, %get3A_279] {strides = array<i32>} : memref<16x128xf32, #tpu.memory_space<vmem>>, vector<1x16xf32>,
        %get3A_281 = vector.shape_cast %get3A_280 : vector<1x16xf32> to vector<16xf32>
        %min3A_282 = arith.minimumf %scan3A_102, %get3A_281 : vector<16xf32>
        %max3A_283 = arith.maximumf %max3A_276, %min3A_282 : vector<16xf32>
        %get3A_284 = arith.constant 2 : i32
        %get3A_285 = arith.index_cast %get3A_284 : i32 to index
        %get3A_286 = arith.constant 48 : index
        %get3A_287 = tpu.vector_load %arg5[%get3A_285, %get3A_286] {strides = array<i32>} : memref<16x128xf32, #tpu.memory_space<vmem>>, vector<1x16xf32>,
        %get3A_288 = vector.shape_cast %get3A_287 : vector<1x16xf32> to vector<16xf32>
        %min3A_289 = arith.minimumf %scan3A_103, %get3A_288 : vector<16xf32>
        %max3A_290 = arith.maximumf %max3A_283, %min3A_289 : vector<16xf32>
        %get3A_291 = arith.constant 2 : i32
        %get3A_292 = arith.index_cast %get3A_291 : i32 to index
        %get3A_293 = arith.constant 64 : index
        %get3A_294 = tpu.vector_load %arg5[%get3A_292, %get3A_293] {strides = array<i32>} : memref<16x128xf32, #tpu.memory_space<vmem>>, vector<1x16xf32>,
        %get3A_295 = vector.shape_cast %get3A_294 : vector<1x16xf32> to vector<16xf32>
        %min3A_296 = arith.minimumf %scan3A_104, %get3A_295 : vector<16xf32>
        %max3A_297 = arith.maximumf %max3A_290, %min3A_296 : vector<16xf32>
        %get3A_298 = arith.constant 2 : i32
        %get3A_299 = arith.index_cast %get3A_298 : i32 to index
        %get3A_300 = arith.constant 80 : index
        %get3A_301 = tpu.vector_load %arg5[%get3A_299, %get3A_300] {strides = array<i32>} : memref<16x128xf32, #tpu.memory_space<vmem>>, vector<1x16xf32>,
        %get3A_302 = vector.shape_cast %get3A_301 : vector<1x16xf32> to vector<16xf32>
        %min3A_303 = arith.minimumf %scan3A_105, %get3A_302 : vector<16xf32>
        %max3A_304 = arith.maximumf %max3A_297, %min3A_303 : vector<16xf32>
        %get3A_305 = arith.constant 2 : i32
        %get3A_306 = arith.index_cast %get3A_305 : i32 to index
        %get3A_307 = arith.constant 96 : index
        %get3A_308 = tpu.vector_load %arg5[%get3A_306, %get3A_307] {strides = array<i32>} : memref<16x128xf32, #tpu.memory_space<vmem>>, vector<1x16xf32>,
        %get3A_309 = vector.shape_cast %get3A_308 : vector<1x16xf32> to vector<16xf32>
        %min3A_310 = arith.minimumf %scan3A_106, %get3A_309 : vector<16xf32>
        %max3A_311 = arith.maximumf %max3A_304, %min3A_310 : vector<16xf32>
        %get3A_312 = arith.constant 2 : i32
        %get3A_313 = arith.index_cast %get3A_312 : i32 to index
        %get3A_314 = arith.constant 112 : index
        %get3A_315 = tpu.vector_load %arg5[%get3A_313, %get3A_314] {strides = array<i32>} : memref<16x128xf32, #tpu.memory_space<vmem>>, vector<1x16xf32>,
        %get3A_316 = vector.shape_cast %get3A_315 : vector<1x16xf32> to vector<16xf32>
        %min3A_317 = arith.minimumf %scan3A_107, %get3A_316 : vector<16xf32>
        %max3A_318 = arith.maximumf %max3A_311, %min3A_317 : vector<16xf32>
        %get3A_319 = arith.constant 3 : i32
        %get3A_320 = arith.index_cast %get3A_319 : i32 to index
        %get3A_321 = arith.constant 0 : index
        %get3A_322 = tpu.vector_load %arg5[%get3A_320, %get3A_321] {strides = array<i32>} : memref<16x128xf32, #tpu.memory_space<vmem>>, vector<1x16xf32>,
        %get3A_323 = vector.shape_cast %get3A_322 : vector<1x16xf32> to vector<16xf32>
        %min3A_324 = arith.minimumf %scan3A_108, %get3A_323 : vector<16xf32>
        %max3A_325 = arith.maximumf %max3A_318, %min3A_324 : vector<16xf32>
        %get3A_326 = arith.constant 3 : i32
        %get3A_327 = arith.index_cast %get3A_326 : i32 to index
        %get3A_328 = arith.constant 16 : index
        %get3A_329 = tpu.vector_load %arg5[%get3A_327, %get3A_328] {strides = array<i32>} : memref<16x128xf32, #tpu.memory_space<vmem>>, vector<1x16xf32>,
        %get3A_330 = vector.shape_cast %get3A_329 : vector<1x16xf32> to vector<16xf32>
        %min3A_331 = arith.minimumf %scan3A_109, %get3A_330 : vector<16xf32>
        %max3A_332 = arith.maximumf %max3A_325, %min3A_331 : vector<16xf32>
        %get3A_333 = arith.constant 3 : i32
        %get3A_334 = arith.index_cast %get3A_333 : i32 to index
        %get3A_335 = arith.constant 32 : index
        %get3A_336 = tpu.vector_load %arg5[%get3A_334, %get3A_335] {strides = array<i32>} : memref<16x128xf32, #tpu.memory_space<vmem>>, vector<1x16xf32>,
        %get3A_337 = vector.shape_cast %get3A_336 : vector<1x16xf32> to vector<16xf32>
        %min3A_338 = arith.minimumf %scan3A_110, %get3A_337 : vector<16xf32>
        %max3A_339 = arith.maximumf %max3A_332, %min3A_338 : vector<16xf32>
        %get3A_340 = arith.constant 3 : i32
        %get3A_341 = arith.index_cast %get3A_340 : i32 to index
        %get3A_342 = arith.constant 48 : index
        %get3A_343 = tpu.vector_load %arg5[%get3A_341, %get3A_342] {strides = array<i32>} : memref<16x128xf32, #tpu.memory_space<vmem>>, vector<1x16xf32>,
        %get3A_344 = vector.shape_cast %get3A_343 : vector<1x16xf32> to vector<16xf32>
        %min3A_345 = arith.minimumf %scan3A_111, %get3A_344 : vector<16xf32>
        %max3A_346 = arith.maximumf %max3A_339, %min3A_345 : vector<16xf32>
        %get3A_347 = arith.constant 3 : i32
        %get3A_348 = arith.index_cast %get3A_347 : i32 to index
        %get3A_349 = arith.constant 64 : index
        %get3A_350 = tpu.vector_load %arg5[%get3A_348, %get3A_349] {strides = array<i32>} : memref<16x128xf32, #tpu.memory_space<vmem>>, vector<1x16xf32>,
        %get3A_351 = vector.shape_cast %get3A_350 : vector<1x16xf32> to vector<16xf32>
        %min3A_352 = arith.minimumf %scan3A_112, %get3A_351 : vector<16xf32>
        %max3A_353 = arith.maximumf %max3A_346, %min3A_352 : vector<16xf32>
        %get3A_354 = arith.constant 3 : i32
        %get3A_355 = arith.index_cast %get3A_354 : i32 to index
        %get3A_356 = arith.constant 80 : index
        %get3A_357 = tpu.vector_load %arg5[%get3A_355, %get3A_356] {strides = array<i32>} : memref<16x128xf32, #tpu.memory_space<vmem>>, vector<1x16xf32>,
        %get3A_358 = vector.shape_cast %get3A_357 : vector<1x16xf32> to vector<16xf32>
        %min3A_359 = arith.minimumf %scan3A_113, %get3A_358 : vector<16xf32>
        %max3A_360 = arith.maximumf %max3A_353, %min3A_359 : vector<16xf32>
        %get3A_361 = arith.constant 3 : i32
        %get3A_362 = arith.index_cast %get3A_361 : i32 to index
        %get3A_363 = arith.constant 96 : index
        %get3A_364 = tpu.vector_load %arg5[%get3A_362, %get3A_363] {strides = array<i32>} : memref<16x128xf32, #tpu.memory_space<vmem>>, vector<1x16xf32>,
        %get3A_365 = vector.shape_cast %get3A_364 : vector<1x16xf32> to vector<16xf32>
        %min3A_366 = arith.minimumf %scan3A_114, %get3A_365 : vector<16xf32>
        %max3A_367 = arith.maximumf %max3A_360, %min3A_366 : vector<16xf32>
        %get3A_368 = arith.constant 3 : i32
        %get3A_369 = arith.index_cast %get3A_368 : i32 to index
        %get3A_370 = arith.constant 112 : index
        %get3A_371 = tpu.vector_load %arg5[%get3A_369, %get3A_370] {strides = array<i32>} : memref<16x128xf32, #tpu.memory_space<vmem>>, vector<1x16xf32>,
        %get3A_372 = vector.shape_cast %get3A_371 : vector<1x16xf32> to vector<16xf32>
        %min3A_373 = arith.minimumf %scan3A_115, %get3A_372 : vector<16xf32>
        %max3A_374 = arith.maximumf %max3A_367, %min3A_373 : vector<16xf32>
        %broadcast_in_dim3A_375 = vector.shape_cast %xor3A_3 : vector<16xi32> to vector<16x1xi32>
        %gather3A = vector.shape_cast %broadcast_in_dim3A_375 : vector<16x1xi32> to vector<16xi32>
        %gather3A_376 = tpu.dynamic_gather %max3A_374[%gather3A] in [0] : vector<16xf32>, vector<16xi32> -> vector<16xf32>
        %max3A_377 = arith.maximumf %max3A_374, %gather3A_376 : vector<16xf32>
        %broadcast_in_dim3A_378 = vector.shape_cast %xor3A_6 : vector<16xi32> to vector<16x1xi32>
        %gather3A_379 = vector.shape_cast %broadcast_in_dim3A_378 : vector<16x1xi32> to vector<16xi32>
        %gather3A_380 = tpu.dynamic_gather %max3A_377[%gather3A_379] in [0] : vector<16xf32>, vector<16xi32> -> vector<16xf32>
        %max3A_381 = arith.maximumf %max3A_377, %gather3A_380 : vector<16xf32>
        %broadcast_in_dim3A_382 = vector.shape_cast %xor3A_9 : vector<16xi32> to vector<16x1xi32>
        %gather3A_383 = vector.shape_cast %broadcast_in_dim3A_382 : vector<16x1xi32> to vector<16xi32>
        %gather3A_384 = tpu.dynamic_gather %max3A_381[%gather3A_383] in [0] : vector<16xf32>, vector<16xi32> -> vector<16xf32>
        %max3A_385 = arith.maximumf %max3A_381, %gather3A_384 : vector<16xf32>
        %broadcast_in_dim3A_386 = vector.shape_cast %xor3A_12 : vector<16xi32> to vector<16x1xi32>
        %gather3A_387 = vector.shape_cast %broadcast_in_dim3A_386 : vector<16x1xi32> to vector<16xi32>
        %gather3A_388 = tpu.dynamic_gather %max3A_385[%gather3A_387] in [0] : vector<16xf32>, vector<16xi32> -> vector<16xf32>
        %max3A_389 = arith.maximumf %max3A_385, %gather3A_388 : vector<16xf32>
        %eq3A_390 = arith.cmpf oeq, %min3A, %max3A_389 : vector<16xf32>
        %add3A_391 = arith.constant 0.000000e+00 : f32
        %add3A_392 = vector.broadcast %add3A_391 : f32 to vector<16xf32>
        %add3A_393 = arith.addf %convert_element_type3A, %add3A_392 : vector<16xf32>
        %broadcast_in_dim3A_394 = vector.broadcast %cond3A_15 : f32 to vector<16xf32>
        %select_n3A_395 = arith.select %eq3A_390, %add3A_393, %broadcast_in_dim3A_394 : vector<16xi1>, vector<16xf32>
        %eq3A_396 = arith.cmpf oeq, %min3A_164, %max3A_389 : vector<16xf32>
        %add3A_397 = arith.constant 1.600000e+01 : f32
        %add3A_398 = vector.broadcast %add3A_397 : f32 to vector<16xf32>
        %add3A_399 = arith.addf %convert_element_type3A, %add3A_398 : vector<16xf32>
        %broadcast_in_dim3A_400 = vector.broadcast %cond3A_15 : f32 to vector<16xf32>
        %select_n3A_401 = arith.select %eq3A_396, %add3A_399, %broadcast_in_dim3A_400 : vector<16xi1>, vector<16xf32>
        %min3A_402 = arith.minimumf %select_n3A_395, %select_n3A_401 : vector<16xf32>
        %eq3A_403 = arith.cmpf oeq, %min3A_170, %max3A_389 : vector<16xf32>
        %add3A_404 = arith.constant 3.200000e+01 : f32
        %add3A_405 = vector.broadcast %add3A_404 : f32 to vector<16xf32>
        %add3A_406 = arith.addf %convert_element_type3A, %add3A_405 : vector<16xf32>
        %broadcast_in_dim3A_407 = vector.broadcast %cond3A_15 : f32 to vector<16xf32>
        %select_n3A_408 = arith.select %eq3A_403, %add3A_406, %broadcast_in_dim3A_407 : vector<16xi1>, vector<16xf32>
        %min3A_409 = arith.minimumf %min3A_402, %select_n3A_408 : vector<16xf32>
        %eq3A_410 = arith.cmpf oeq, %min3A_177, %max3A_389 : vector<16xf32>
        %add3A_411 = arith.constant 4.800000e+01 : f32
        %add3A_412 = vector.broadcast %add3A_411 : f32 to vector<16xf32>
        %add3A_413 = arith.addf %convert_element_type3A, %add3A_412 : vector<16xf32>
        %broadcast_in_dim3A_414 = vector.broadcast %cond3A_15 : f32 to vector<16xf32>
        %select_n3A_415 = arith.select %eq3A_410, %add3A_413, %broadcast_in_dim3A_414 : vector<16xi1>, vector<16xf32>
        %min3A_416 = arith.minimumf %min3A_409, %select_n3A_415 : vector<16xf32>
        %eq3A_417 = arith.cmpf oeq, %min3A_184, %max3A_389 : vector<16xf32>
        %add3A_418 = arith.constant 6.400000e+01 : f32
        %add3A_419 = vector.broadcast %add3A_418 : f32 to vector<16xf32>
        %add3A_420 = arith.addf %convert_element_type3A, %add3A_419 : vector<16xf32>
        %broadcast_in_dim3A_421 = vector.broadcast %cond3A_15 : f32 to vector<16xf32>
        %select_n3A_422 = arith.select %eq3A_417, %add3A_420, %broadcast_in_dim3A_421 : vector<16xi1>, vector<16xf32>
        %min3A_423 = arith.minimumf %min3A_416, %select_n3A_422 : vector<16xf32>
        %eq3A_424 = arith.cmpf oeq, %min3A_191, %max3A_389 : vector<16xf32>
        %add3A_425 = arith.constant 8.000000e+01 : f32
        %add3A_426 = vector.broadcast %add3A_425 : f32 to vector<16xf32>
        %add3A_427 = arith.addf %convert_element_type3A, %add3A_426 : vector<16xf32>
        %broadcast_in_dim3A_428 = vector.broadcast %cond3A_15 : f32 to vector<16xf32>
        %select_n3A_429 = arith.select %eq3A_424, %add3A_427, %broadcast_in_dim3A_428 : vector<16xi1>, vector<16xf32>
        %min3A_430 = arith.minimumf %min3A_423, %select_n3A_429 : vector<16xf32>
        %eq3A_431 = arith.cmpf oeq, %min3A_198, %max3A_389 : vector<16xf32>
        %add3A_432 = arith.constant 9.600000e+01 : f32
        %add3A_433 = vector.broadcast %add3A_432 : f32 to vector<16xf32>
        %add3A_434 = arith.addf %convert_element_type3A, %add3A_433 : vector<16xf32>
        %broadcast_in_dim3A_435 = vector.broadcast %cond3A_15 : f32 to vector<16xf32>
        %select_n3A_436 = arith.select %eq3A_431, %add3A_434, %broadcast_in_dim3A_435 : vector<16xi1>, vector<16xf32>
        %min3A_437 = arith.minimumf %min3A_430, %select_n3A_436 : vector<16xf32>
        %eq3A_438 = arith.cmpf oeq, %min3A_205, %max3A_389 : vector<16xf32>
        %add3A_439 = arith.constant 1.120000e+02 : f32
        %add3A_440 = vector.broadcast %add3A_439 : f32 to vector<16xf32>
        %add3A_441 = arith.addf %convert_element_type3A, %add3A_440 : vector<16xf32>
        %broadcast_in_dim3A_442 = vector.broadcast %cond3A_15 : f32 to vector<16xf32>
        %select_n3A_443 = arith.select %eq3A_438, %add3A_441, %broadcast_in_dim3A_442 : vector<16xi1>, vector<16xf32>
        %min3A_444 = arith.minimumf %min3A_437, %select_n3A_443 : vector<16xf32>
        %eq3A_445 = arith.cmpf oeq, %min3A_212, %max3A_389 : vector<16xf32>
        %add3A_446 = arith.constant 1.280000e+02 : f32
        %add3A_447 = vector.broadcast %add3A_446 : f32 to vector<16xf32>
        %add3A_448 = arith.addf %convert_element_type3A, %add3A_447 : vector<16xf32>
        %broadcast_in_dim3A_449 = vector.broadcast %cond3A_15 : f32 to vector<16xf32>
        %select_n3A_450 = arith.select %eq3A_445, %add3A_448, %broadcast_in_dim3A_449 : vector<16xi1>, vector<16xf32>
        %min3A_451 = arith.minimumf %min3A_444, %select_n3A_450 : vector<16xf32>
        %eq3A_452 = arith.cmpf oeq, %min3A_219, %max3A_389 : vector<16xf32>
        %add3A_453 = arith.constant 1.440000e+02 : f32
        %add3A_454 = vector.broadcast %add3A_453 : f32 to vector<16xf32>
        %add3A_455 = arith.addf %convert_element_type3A, %add3A_454 : vector<16xf32>
        %broadcast_in_dim3A_456 = vector.broadcast %cond3A_15 : f32 to vector<16xf32>
        %select_n3A_457 = arith.select %eq3A_452, %add3A_455, %broadcast_in_dim3A_456 : vector<16xi1>, vector<16xf32>
        %min3A_458 = arith.minimumf %min3A_451, %select_n3A_457 : vector<16xf32>
        %eq3A_459 = arith.cmpf oeq, %min3A_226, %max3A_389 : vector<16xf32>
        %add3A_460 = arith.constant 1.600000e+02 : f32
        %add3A_461 = vector.broadcast %add3A_460 : f32 to vector<16xf32>
        %add3A_462 = arith.addf %convert_element_type3A, %add3A_461 : vector<16xf32>
        %broadcast_in_dim3A_463 = vector.broadcast %cond3A_15 : f32 to vector<16xf32>
        %select_n3A_464 = arith.select %eq3A_459, %add3A_462, %broadcast_in_dim3A_463 : vector<16xi1>, vector<16xf32>
        %min3A_465 = arith.minimumf %min3A_458, %select_n3A_464 : vector<16xf32>
        %eq3A_466 = arith.cmpf oeq, %min3A_233, %max3A_389 : vector<16xf32>
        %add3A_467 = arith.constant 1.760000e+02 : f32
        %add3A_468 = vector.broadcast %add3A_467 : f32 to vector<16xf32>
        %add3A_469 = arith.addf %convert_element_type3A, %add3A_468 : vector<16xf32>
        %broadcast_in_dim3A_470 = vector.broadcast %cond3A_15 : f32 to vector<16xf32>
        %select_n3A_471 = arith.select %eq3A_466, %add3A_469, %broadcast_in_dim3A_470 : vector<16xi1>, vector<16xf32>
        %min3A_472 = arith.minimumf %min3A_465, %select_n3A_471 : vector<16xf32>
        %eq3A_473 = arith.cmpf oeq, %min3A_240, %max3A_389 : vector<16xf32>
        %add3A_474 = arith.constant 1.920000e+02 : f32
        %add3A_475 = vector.broadcast %add3A_474 : f32 to vector<16xf32>
        %add3A_476 = arith.addf %convert_element_type3A, %add3A_475 : vector<16xf32>
        %broadcast_in_dim3A_477 = vector.broadcast %cond3A_15 : f32 to vector<16xf32>
        %select_n3A_478 = arith.select %eq3A_473, %add3A_476, %broadcast_in_dim3A_477 : vector<16xi1>, vector<16xf32>
        %min3A_479 = arith.minimumf %min3A_472, %select_n3A_478 : vector<16xf32>
        %eq3A_480 = arith.cmpf oeq, %min3A_247, %max3A_389 : vector<16xf32>
        %add3A_481 = arith.constant 2.080000e+02 : f32
        %add3A_482 = vector.broadcast %add3A_481 : f32 to vector<16xf32>
        %add3A_483 = arith.addf %convert_element_type3A, %add3A_482 : vector<16xf32>
        %broadcast_in_dim3A_484 = vector.broadcast %cond3A_15 : f32 to vector<16xf32>
        %select_n3A_485 = arith.select %eq3A_480, %add3A_483, %broadcast_in_dim3A_484 : vector<16xi1>, vector<16xf32>
        %min3A_486 = arith.minimumf %min3A_479, %select_n3A_485 : vector<16xf32>
        %eq3A_487 = arith.cmpf oeq, %min3A_254, %max3A_389 : vector<16xf32>
        %add3A_488 = arith.constant 2.240000e+02 : f32
        %add3A_489 = vector.broadcast %add3A_488 : f32 to vector<16xf32>
        %add3A_490 = arith.addf %convert_element_type3A, %add3A_489 : vector<16xf32>
        %broadcast_in_dim3A_491 = vector.broadcast %cond3A_15 : f32 to vector<16xf32>
        %select_n3A_492 = arith.select %eq3A_487, %add3A_490, %broadcast_in_dim3A_491 : vector<16xi1>, vector<16xf32>
        %min3A_493 = arith.minimumf %min3A_486, %select_n3A_492 : vector<16xf32>
        %eq3A_494 = arith.cmpf oeq, %min3A_261, %max3A_389 : vector<16xf32>
        %add3A_495 = arith.constant 2.400000e+02 : f32
        %add3A_496 = vector.broadcast %add3A_495 : f32 to vector<16xf32>
        %add3A_497 = arith.addf %convert_element_type3A, %add3A_496 : vector<16xf32>
        %broadcast_in_dim3A_498 = vector.broadcast %cond3A_15 : f32 to vector<16xf32>
        %select_n3A_499 = arith.select %eq3A_494, %add3A_497, %broadcast_in_dim3A_498 : vector<16xi1>, vector<16xf32>
        %min3A_500 = arith.minimumf %min3A_493, %select_n3A_499 : vector<16xf32>
        %eq3A_501 = arith.cmpf oeq, %min3A_268, %max3A_389 : vector<16xf32>
        %add3A_502 = arith.constant 2.560000e+02 : f32
        %add3A_503 = vector.broadcast %add3A_502 : f32 to vector<16xf32>
        %add3A_504 = arith.addf %convert_element_type3A, %add3A_503 : vector<16xf32>
        %broadcast_in_dim3A_505 = vector.broadcast %cond3A_15 : f32 to vector<16xf32>
        %select_n3A_506 = arith.select %eq3A_501, %add3A_504, %broadcast_in_dim3A_505 : vector<16xi1>, vector<16xf32>
        %min3A_507 = arith.minimumf %min3A_500, %select_n3A_506 : vector<16xf32>
        %eq3A_508 = arith.cmpf oeq, %min3A_275, %max3A_389 : vector<16xf32>
        %add3A_509 = arith.constant 2.720000e+02 : f32
        %add3A_510 = vector.broadcast %add3A_509 : f32 to vector<16xf32>
        %add3A_511 = arith.addf %convert_element_type3A, %add3A_510 : vector<16xf32>
        %broadcast_in_dim3A_512 = vector.broadcast %cond3A_15 : f32 to vector<16xf32>
        %select_n3A_513 = arith.select %eq3A_508, %add3A_511, %broadcast_in_dim3A_512 : vector<16xi1>, vector<16xf32>
        %min3A_514 = arith.minimumf %min3A_507, %select_n3A_513 : vector<16xf32>
        %eq3A_515 = arith.cmpf oeq, %min3A_282, %max3A_389 : vector<16xf32>
        %add3A_516 = arith.constant 2.880000e+02 : f32
        %add3A_517 = vector.broadcast %add3A_516 : f32 to vector<16xf32>
        %add3A_518 = arith.addf %convert_element_type3A, %add3A_517 : vector<16xf32>
        %broadcast_in_dim3A_519 = vector.broadcast %cond3A_15 : f32 to vector<16xf32>
        %select_n3A_520 = arith.select %eq3A_515, %add3A_518, %broadcast_in_dim3A_519 : vector<16xi1>, vector<16xf32>
        %min3A_521 = arith.minimumf %min3A_514, %select_n3A_520 : vector<16xf32>
        %eq3A_522 = arith.cmpf oeq, %min3A_289, %max3A_389 : vector<16xf32>
        %add3A_523 = arith.constant 3.040000e+02 : f32
        %add3A_524 = vector.broadcast %add3A_523 : f32 to vector<16xf32>
        %add3A_525 = arith.addf %convert_element_type3A, %add3A_524 : vector<16xf32>
        %broadcast_in_dim3A_526 = vector.broadcast %cond3A_15 : f32 to vector<16xf32>
        %select_n3A_527 = arith.select %eq3A_522, %add3A_525, %broadcast_in_dim3A_526 : vector<16xi1>, vector<16xf32>
        %min3A_528 = arith.minimumf %min3A_521, %select_n3A_527 : vector<16xf32>
        %eq3A_529 = arith.cmpf oeq, %min3A_296, %max3A_389 : vector<16xf32>
        %add3A_530 = arith.constant 3.200000e+02 : f32
        %add3A_531 = vector.broadcast %add3A_530 : f32 to vector<16xf32>
        %add3A_532 = arith.addf %convert_element_type3A, %add3A_531 : vector<16xf32>
        %broadcast_in_dim3A_533 = vector.broadcast %cond3A_15 : f32 to vector<16xf32>
        %select_n3A_534 = arith.select %eq3A_529, %add3A_532, %broadcast_in_dim3A_533 : vector<16xi1>, vector<16xf32>
        %min3A_535 = arith.minimumf %min3A_528, %select_n3A_534 : vector<16xf32>
        %eq3A_536 = arith.cmpf oeq, %min3A_303, %max3A_389 : vector<16xf32>
        %add3A_537 = arith.constant 3.360000e+02 : f32
        %add3A_538 = vector.broadcast %add3A_537 : f32 to vector<16xf32>
        %add3A_539 = arith.addf %convert_element_type3A, %add3A_538 : vector<16xf32>
        %broadcast_in_dim3A_540 = vector.broadcast %cond3A_15 : f32 to vector<16xf32>
        %select_n3A_541 = arith.select %eq3A_536, %add3A_539, %broadcast_in_dim3A_540 : vector<16xi1>, vector<16xf32>
        %min3A_542 = arith.minimumf %min3A_535, %select_n3A_541 : vector<16xf32>
        %eq3A_543 = arith.cmpf oeq, %min3A_310, %max3A_389 : vector<16xf32>
        %add3A_544 = arith.constant 3.520000e+02 : f32
        %add3A_545 = vector.broadcast %add3A_544 : f32 to vector<16xf32>
        %add3A_546 = arith.addf %convert_element_type3A, %add3A_545 : vector<16xf32>
        %broadcast_in_dim3A_547 = vector.broadcast %cond3A_15 : f32 to vector<16xf32>
        %select_n3A_548 = arith.select %eq3A_543, %add3A_546, %broadcast_in_dim3A_547 : vector<16xi1>, vector<16xf32>
        %min3A_549 = arith.minimumf %min3A_542, %select_n3A_548 : vector<16xf32>
        %eq3A_550 = arith.cmpf oeq, %min3A_317, %max3A_389 : vector<16xf32>
        %add3A_551 = arith.constant 3.680000e+02 : f32
        %add3A_552 = vector.broadcast %add3A_551 : f32 to vector<16xf32>
        %add3A_553 = arith.addf %convert_element_type3A, %add3A_552 : vector<16xf32>
        %broadcast_in_dim3A_554 = vector.broadcast %cond3A_15 : f32 to vector<16xf32>
        %select_n3A_555 = arith.select %eq3A_550, %add3A_553, %broadcast_in_dim3A_554 : vector<16xi1>, vector<16xf32>
        %min3A_556 = arith.minimumf %min3A_549, %select_n3A_555 : vector<16xf32>
        %eq3A_557 = arith.cmpf oeq, %min3A_324, %max3A_389 : vector<16xf32>
        %add3A_558 = arith.constant 3.840000e+02 : f32
        %add3A_559 = vector.broadcast %add3A_558 : f32 to vector<16xf32>
        %add3A_560 = arith.addf %convert_element_type3A, %add3A_559 : vector<16xf32>
        %broadcast_in_dim3A_561 = vector.broadcast %cond3A_15 : f32 to vector<16xf32>
        %select_n3A_562 = arith.select %eq3A_557, %add3A_560, %broadcast_in_dim3A_561 : vector<16xi1>, vector<16xf32>
        %min3A_563 = arith.minimumf %min3A_556, %select_n3A_562 : vector<16xf32>
        %eq3A_564 = arith.cmpf oeq, %min3A_331, %max3A_389 : vector<16xf32>
        %add3A_565 = arith.constant 4.000000e+02 : f32
        %add3A_566 = vector.broadcast %add3A_565 : f32 to vector<16xf32>
        %add3A_567 = arith.addf %convert_element_type3A, %add3A_566 : vector<16xf32>
        %broadcast_in_dim3A_568 = vector.broadcast %cond3A_15 : f32 to vector<16xf32>
        %select_n3A_569 = arith.select %eq3A_564, %add3A_567, %broadcast_in_dim3A_568 : vector<16xi1>, vector<16xf32>
        %min3A_570 = arith.minimumf %min3A_563, %select_n3A_569 : vector<16xf32>
        %eq3A_571 = arith.cmpf oeq, %min3A_338, %max3A_389 : vector<16xf32>
        %add3A_572 = arith.constant 4.160000e+02 : f32
        %add3A_573 = vector.broadcast %add3A_572 : f32 to vector<16xf32>
        %add3A_574 = arith.addf %convert_element_type3A, %add3A_573 : vector<16xf32>
        %broadcast_in_dim3A_575 = vector.broadcast %cond3A_15 : f32 to vector<16xf32>
        %select_n3A_576 = arith.select %eq3A_571, %add3A_574, %broadcast_in_dim3A_575 : vector<16xi1>, vector<16xf32>
        %min3A_577 = arith.minimumf %min3A_570, %select_n3A_576 : vector<16xf32>
        %eq3A_578 = arith.cmpf oeq, %min3A_345, %max3A_389 : vector<16xf32>
        %add3A_579 = arith.constant 4.320000e+02 : f32
        %add3A_580 = vector.broadcast %add3A_579 : f32 to vector<16xf32>
        %add3A_581 = arith.addf %convert_element_type3A, %add3A_580 : vector<16xf32>
        %broadcast_in_dim3A_582 = vector.broadcast %cond3A_15 : f32 to vector<16xf32>
        %select_n3A_583 = arith.select %eq3A_578, %add3A_581, %broadcast_in_dim3A_582 : vector<16xi1>, vector<16xf32>
        %min3A_584 = arith.minimumf %min3A_577, %select_n3A_583 : vector<16xf32>
        %eq3A_585 = arith.cmpf oeq, %min3A_352, %max3A_389 : vector<16xf32>
        %add3A_586 = arith.constant 4.480000e+02 : f32
        %add3A_587 = vector.broadcast %add3A_586 : f32 to vector<16xf32>
        %add3A_588 = arith.addf %convert_element_type3A, %add3A_587 : vector<16xf32>
        %broadcast_in_dim3A_589 = vector.broadcast %cond3A_15 : f32 to vector<16xf32>
        %select_n3A_590 = arith.select %eq3A_585, %add3A_588, %broadcast_in_dim3A_589 : vector<16xi1>, vector<16xf32>
        %min3A_591 = arith.minimumf %min3A_584, %select_n3A_590 : vector<16xf32>
        %eq3A_592 = arith.cmpf oeq, %min3A_359, %max3A_389 : vector<16xf32>
        %add3A_593 = arith.constant 4.640000e+02 : f32
        %add3A_594 = vector.broadcast %add3A_593 : f32 to vector<16xf32>
        %add3A_595 = arith.addf %convert_element_type3A, %add3A_594 : vector<16xf32>
        %broadcast_in_dim3A_596 = vector.broadcast %cond3A_15 : f32 to vector<16xf32>
        %select_n3A_597 = arith.select %eq3A_592, %add3A_595, %broadcast_in_dim3A_596 : vector<16xi1>, vector<16xf32>
        %min3A_598 = arith.minimumf %min3A_591, %select_n3A_597 : vector<16xf32>
        %eq3A_599 = arith.cmpf oeq, %min3A_366, %max3A_389 : vector<16xf32>
        %add3A_600 = arith.constant 4.800000e+02 : f32
        %add3A_601 = vector.broadcast %add3A_600 : f32 to vector<16xf32>
        %add3A_602 = arith.addf %convert_element_type3A, %add3A_601 : vector<16xf32>
        %broadcast_in_dim3A_603 = vector.broadcast %cond3A_15 : f32 to vector<16xf32>
        %select_n3A_604 = arith.select %eq3A_599, %add3A_602, %broadcast_in_dim3A_603 : vector<16xi1>, vector<16xf32>
        %min3A_605 = arith.minimumf %min3A_598, %select_n3A_604 : vector<16xf32>
        %eq3A_606 = arith.cmpf oeq, %min3A_373, %max3A_389 : vector<16xf32>
        %add3A_607 = arith.constant 4.960000e+02 : f32
        %add3A_608 = vector.broadcast %add3A_607 : f32 to vector<16xf32>
        %add3A_609 = arith.addf %convert_element_type3A, %add3A_608 : vector<16xf32>
        %broadcast_in_dim3A_610 = vector.broadcast %cond3A_15 : f32 to vector<16xf32>
        %select_n3A_611 = arith.select %eq3A_606, %add3A_609, %broadcast_in_dim3A_610 : vector<16xi1>, vector<16xf32>
        %min3A_612 = arith.minimumf %min3A_605, %select_n3A_611 : vector<16xf32>
        %broadcast_in_dim3A_613 = vector.shape_cast %xor3A_3 : vector<16xi32> to vector<16x1xi32>
        %gather3A_614 = vector.shape_cast %broadcast_in_dim3A_613 : vector<16x1xi32> to vector<16xi32>
        %gather3A_615 = tpu.dynamic_gather %min3A_612[%gather3A_614] in [0] : vector<16xf32>, vector<16xi32> -> vector<16xf32>
        %min3A_616 = arith.minimumf %min3A_612, %gather3A_615 : vector<16xf32>
        %broadcast_in_dim3A_617 = vector.shape_cast %xor3A_6 : vector<16xi32> to vector<16x1xi32>
        %gather3A_618 = vector.shape_cast %broadcast_in_dim3A_617 : vector<16x1xi32> to vector<16xi32>
        %gather3A_619 = tpu.dynamic_gather %min3A_616[%gather3A_618] in [0] : vector<16xf32>, vector<16xi32> -> vector<16xf32>
        %min3A_620 = arith.minimumf %min3A_616, %gather3A_619 : vector<16xf32>
        %broadcast_in_dim3A_621 = vector.shape_cast %xor3A_9 : vector<16xi32> to vector<16x1xi32>
        %gather3A_622 = vector.shape_cast %broadcast_in_dim3A_621 : vector<16x1xi32> to vector<16xi32>
        %gather3A_623 = tpu.dynamic_gather %min3A_620[%gather3A_622] in [0] : vector<16xf32>, vector<16xi32> -> vector<16xf32>
        %min3A_624 = arith.minimumf %min3A_620, %gather3A_623 : vector<16xf32>
        %broadcast_in_dim3A_625 = vector.shape_cast %xor3A_12 : vector<16xi32> to vector<16x1xi32>
        %gather3A_626 = vector.shape_cast %broadcast_in_dim3A_625 : vector<16x1xi32> to vector<16xi32>
        %gather3A_627 = tpu.dynamic_gather %min3A_624[%gather3A_626] in [0] : vector<16xf32>, vector<16xi32> -> vector<16xf32>
        %min3A_628 = arith.minimumf %min3A_624, %gather3A_627 : vector<16xf32>
        %convert_element_type3A_629 = arith.fptosi %min3A_628 : vector<16xf32> to vector<16xi32>
        scf.yield %convert_element_type3A_629, %min3A, %min3A_164, %min3A_170, %min3A_177, %min3A_184, %min3A_191, %min3A_198, %min3A_205, %min3A_212, %min3A_219, %min3A_226, %min3A_233, %min3A_240, %min3A_247, %min3A_254, %min3A_261, %min3A_268, %min3A_275, %min3A_282, %min3A_289, %min3A_296, %min3A_303, %min3A_310, %min3A_317, %min3A_324, %min3A_331, %min3A_338, %min3A_345, %min3A_352, %min3A_359, %min3A_366, %min3A_373, %select_n3A, %select_n3A_127, %select_n3A_132, %select_n3A_137 : vector<16xi32>, vector<16xf32>, vector<16xf32>, vector<16xf32>, vector<16xf32>, vector<16xf32>, vector<16xf32>, vector<16xf32>, vector<16xf32>, vector<16xf32>, vector<16xf32>, vector<16xf32>, vector<16xf32>, vector<16xf32>, vector<16xf32>, vector<16xf32>, vector<16xf32>, vector<16xf32>, vector<16xf32>, vector<16xf32>, vector<16xf32>, vector<16xf32>, vector<16xf32>, vector<16xf32>, vector<16xf32>, vector<16xf32>, vector<16xf32>, vector<16xf32>, vector<16xf32>, vector<16xf32>, vector<16xf32>, vector<16xf32>, vector<16xf32>, vector<16xi32>, vector<16xi32>, vector<16xi32>, vector<16xi32>
      }
      %scan3A_66 = arith.constant 64 : i32
      %swap3A = arith.constant 0 : index
      %swap3A_67 = tpu.vector_load %arg8[%swap3A] {strides = array<i32>} : memref<64xi32, #tpu.memory_space<vmem>>, vector<16xi32>,
      %swap3A_68 = vector.shape_cast %swap3A_67 : vector<16xi32> to vector<16xi32>
      %swap3A_69 = vector.shape_cast %scan3A_65#33 : vector<16xi32> to vector<16xi32>
      tpu.vector_store %arg8[%swap3A], %swap3A_69 {strides = array<i32>} : memref<64xi32, #tpu.memory_space<vmem>>, vector<16xi32>,
      %swap3A_70 = arith.constant 16 : index
      %swap3A_71 = tpu.vector_load %arg8[%swap3A_70] {strides = array<i32>} : memref<64xi32, #tpu.memory_space<vmem>>, vector<16xi32>,
      %swap3A_72 = vector.shape_cast %swap3A_71 : vector<16xi32> to vector<16xi32>
      %swap3A_73 = vector.shape_cast %scan3A_65#34 : vector<16xi32> to vector<16xi32>
      tpu.vector_store %arg8[%swap3A_70], %swap3A_73 {strides = array<i32>} : memref<64xi32, #tpu.memory_space<vmem>>, vector<16xi32>,
      %swap3A_74 = arith.constant 32 : index
      %swap3A_75 = tpu.vector_load %arg8[%swap3A_74] {strides = array<i32>} : memref<64xi32, #tpu.memory_space<vmem>>, vector<16xi32>,
      %swap3A_76 = vector.shape_cast %swap3A_75 : vector<16xi32> to vector<16xi32>
      %swap3A_77 = vector.shape_cast %scan3A_65#35 : vector<16xi32> to vector<16xi32>
      tpu.vector_store %arg8[%swap3A_74], %swap3A_77 {strides = array<i32>} : memref<64xi32, #tpu.memory_space<vmem>>, vector<16xi32>,
      %swap3A_78 = arith.constant 48 : index
      %swap3A_79 = tpu.vector_load %arg8[%swap3A_78] {strides = array<i32>} : memref<64xi32, #tpu.memory_space<vmem>>, vector<16xi32>,
      %swap3A_80 = vector.shape_cast %swap3A_79 : vector<16xi32> to vector<16xi32>
      %swap3A_81 = vector.shape_cast %scan3A_65#36 : vector<16xi32> to vector<16xi32>
      tpu.vector_store %arg8[%swap3A_78], %swap3A_81 {strides = array<i32>} : memref<64xi32, #tpu.memory_space<vmem>>, vector<16xi32>,
      "tpu.region"() ({
        %run_scoped3A_82 = tpu.sem_alloc : memref<!tpu.dma_semaphore, #tpu.memory_space<semaphore_mem>>
        %dma_start3A = arith.constant 0 : i32
        %dma_start3A_83 = tpu.memref_slice %arg4[%add3A, %dma_start3A] : memref<12x64xi32, #tpu.memory_space<hbm>> -> memref<1x64xi32, #tpu.memory_space<hbm>>
        %dma_start3A_84 = tpu.memref_squeeze %dma_start3A_83 : memref<1x64xi32, #tpu.memory_space<hbm>> -> memref<64xi32, #tpu.memory_space<hbm>>
        %dma_start3A_85 = arith.constant 0 : i32
        %dma_start3A_86 = tpu.memref_slice %arg4[%add3A, %dma_start3A_85] : memref<12x64xi32, #tpu.memory_space<hbm>> -> memref<1x64xi32, #tpu.memory_space<hbm>>
        %dma_start3A_87 = tpu.memref_squeeze %dma_start3A_86 : memref<1x64xi32, #tpu.memory_space<hbm>> -> memref<64xi32, #tpu.memory_space<hbm>>
        tpu.enqueue_dma source(%arg8 : memref<64xi32, #tpu.memory_space<vmem>>) target(%dma_start3A_87 : memref<64xi32, #tpu.memory_space<hbm>>) target_semaphore(%run_scoped3A_82 : memref<!tpu.dma_semaphore, #tpu.memory_space<semaphore_mem>>)
        %dma_wait3A = arith.constant 0 : i32
        %dma_wait3A_88 = tpu.memref_slice %arg4[%add3A, %dma_wait3A] : memref<12x64xi32, #tpu.memory_space<hbm>> -> memref<1x64xi32, #tpu.memory_space<hbm>>
        %dma_wait3A_89 = tpu.memref_squeeze %dma_wait3A_88 : memref<1x64xi32, #tpu.memory_space<hbm>> -> memref<64xi32, #tpu.memory_space<hbm>>
        %dma_wait3A_90 = arith.constant 0 : i32
        %dma_wait3A_91 = tpu.memref_slice %arg4[%add3A, %dma_wait3A_90] : memref<12x64xi32, #tpu.memory_space<hbm>> -> memref<1x64xi32, #tpu.memory_space<hbm>>
        %dma_wait3A_92 = tpu.memref_squeeze %dma_wait3A_91 : memref<1x64xi32, #tpu.memory_space<hbm>> -> memref<64xi32, #tpu.memory_space<hbm>>
        tpu.wait_dma2 semaphore(%run_scoped3A_82 : memref<!tpu.dma_semaphore, #tpu.memory_space<semaphore_mem>>) src(%arg8 : memref<64xi32, #tpu.memory_space<vmem>>) dst(%dma_wait3A_92 : memref<64xi32, #tpu.memory_space<hbm>>)
        tpu.yield
      }) : () -> ()
    } else {
    }
    return
  }
}

module attributes {stable_mosaic.version = 14 : i64} {
  func.func @_finish_kernel(%arg0: memref<4x512x64xf32, #tpu.memory_space<vmem>>, %arg1: memref<12x64xi32, #tpu.memory_space<vmem>>, %arg2: memref<64x64xf32, #tpu.memory_space<vmem>>, %arg3: memref<64x64xf32, #tpu.memory_space<vmem>>, %arg4: memref<64x64xf32, #tpu.memory_space<vmem>>, %arg5: memref<1x64xf32, #tpu.memory_space<vmem>>, %arg6: memref<64x64xf32, #tpu.memory_space<vmem>>, %arg7: memref<4x512x64xf32, #tpu.memory_space<vmem>>) attributes {dimension_semantics = [], scalar_prefetch = 0 : i64, scratch_operands = 0 : i64, tpu.core_type = #tpu.core_type<tc>} {
    %get3A = arith.constant 0 : index
    %get3A_0 = arith.constant 0 : index
    %get3A_1 = vector.load %arg2[%get3A, %get3A_0] : memref<64x64xf32, #tpu.memory_space<vmem>>, vector<64x64xf32>
    %get3A_2 = arith.constant 0 : index
    %get3A_3 = arith.constant 0 : index
    %get3A_4 = vector.load %arg3[%get3A_2, %get3A_3] : memref<64x64xf32, #tpu.memory_space<vmem>>, vector<64x64xf32>
    %get3A_5 = arith.constant 0 : index
    %get3A_6 = arith.constant 0 : index
    %get3A_7 = vector.load %arg4[%get3A_5, %get3A_6] : memref<64x64xf32, #tpu.memory_space<vmem>>, vector<64x64xf32>
    %get3A_8 = arith.constant 0 : index
    %get3A_9 = arith.constant 0 : index
    %get3A_10 = arith.constant 0 : index
    %get3A_11 = vector.load %arg0[%get3A_8, %get3A_9, %get3A_10] : memref<4x512x64xf32, #tpu.memory_space<vmem>>, vector<1x512x64xf32>
    %get3A_12 = vector.shape_cast %get3A_11 : vector<1x512x64xf32> to vector<512x64xf32>
    %get3A_13 = arith.constant 1 : index
    %get3A_14 = arith.constant 0 : index
    %get3A_15 = arith.constant 0 : index
    %get3A_16 = vector.load %arg0[%get3A_13, %get3A_14, %get3A_15] : memref<4x512x64xf32, #tpu.memory_space<vmem>>, vector<1x512x64xf32>
    %get3A_17 = vector.shape_cast %get3A_16 : vector<1x512x64xf32> to vector<512x64xf32>
    %get3A_18 = arith.constant 2 : index
    %get3A_19 = arith.constant 0 : index
    %get3A_20 = arith.constant 0 : index
    %get3A_21 = vector.load %arg0[%get3A_18, %get3A_19, %get3A_20] : memref<4x512x64xf32, #tpu.memory_space<vmem>>, vector<1x512x64xf32>
    %get3A_22 = vector.shape_cast %get3A_21 : vector<1x512x64xf32> to vector<512x64xf32>
    %get3A_23 = arith.constant 3 : index
    %get3A_24 = arith.constant 0 : index
    %get3A_25 = arith.constant 0 : index
    %get3A_26 = vector.load %arg0[%get3A_23, %get3A_24, %get3A_25] : memref<4x512x64xf32, #tpu.memory_space<vmem>>, vector<1x512x64xf32>
    %get3A_27 = vector.shape_cast %get3A_26 : vector<1x512x64xf32> to vector<512x64xf32>
    %get3A_28 = arith.constant 0 : index
    %get3A_29 = arith.constant 0 : index
    %get3A_30 = arith.constant 0 : index
    %get3A_31 = vector.load %arg0[%get3A_28, %get3A_29, %get3A_30] : memref<4x512x64xf32, #tpu.memory_space<vmem>>, vector<1x512x64xf32>
    %get3A_32 = vector.shape_cast %get3A_31 : vector<1x512x64xf32> to vector<512x64xf32>
    %dot_general3A = arith.constant dense<0.000000e+00> : vector<512x64xf32>
    %dot_general3A_33 = tpu.matmul %get3A_32, %get3A_1, %dot_general3A {dimension_numbers = #tpu.dot_dimension_numbers<[1], [1], [0], [0], [0, 0, 1, 0], [], []>, transpose_lhs_hint = false} : vector<512x64xf32>, vector<64x64xf32>, vector<512x64xf32> -> vector<512x64xf32>
    %get3A_34 = arith.constant 1 : index
    %get3A_35 = arith.constant 0 : index
    %get3A_36 = arith.constant 0 : index
    %get3A_37 = vector.load %arg0[%get3A_34, %get3A_35, %get3A_36] : memref<4x512x64xf32, #tpu.memory_space<vmem>>, vector<1x512x64xf32>
    %get3A_38 = vector.shape_cast %get3A_37 : vector<1x512x64xf32> to vector<512x64xf32>
    %dot_general3A_39 = arith.constant dense<0.000000e+00> : vector<512x64xf32>
    %dot_general3A_40 = tpu.matmul %get3A_38, %get3A_1, %dot_general3A_39 {dimension_numbers = #tpu.dot_dimension_numbers<[1], [1], [0], [0], [0, 0, 1, 0], [], []>, transpose_lhs_hint = false} : vector<512x64xf32>, vector<64x64xf32>, vector<512x64xf32> -> vector<512x64xf32>
    %get3A_41 = arith.constant 2 : index
    %get3A_42 = arith.constant 0 : index
    %get3A_43 = arith.constant 0 : index
    %get3A_44 = vector.load %arg0[%get3A_41, %get3A_42, %get3A_43] : memref<4x512x64xf32, #tpu.memory_space<vmem>>, vector<1x512x64xf32>
    %get3A_45 = vector.shape_cast %get3A_44 : vector<1x512x64xf32> to vector<512x64xf32>
    %dot_general3A_46 = arith.constant dense<0.000000e+00> : vector<512x64xf32>
    %dot_general3A_47 = tpu.matmul %get3A_45, %get3A_1, %dot_general3A_46 {dimension_numbers = #tpu.dot_dimension_numbers<[1], [1], [0], [0], [0, 0, 1, 0], [], []>, transpose_lhs_hint = false} : vector<512x64xf32>, vector<64x64xf32>, vector<512x64xf32> -> vector<512x64xf32>
    %get3A_48 = arith.constant 3 : index
    %get3A_49 = arith.constant 0 : index
    %get3A_50 = arith.constant 0 : index
    %get3A_51 = vector.load %arg0[%get3A_48, %get3A_49, %get3A_50] : memref<4x512x64xf32, #tpu.memory_space<vmem>>, vector<1x512x64xf32>
    %get3A_52 = vector.shape_cast %get3A_51 : vector<1x512x64xf32> to vector<512x64xf32>
    %dot_general3A_53 = arith.constant dense<0.000000e+00> : vector<512x64xf32>
    %dot_general3A_54 = tpu.matmul %get3A_52, %get3A_1, %dot_general3A_53 {dimension_numbers = #tpu.dot_dimension_numbers<[1], [1], [0], [0], [0, 0, 1, 0], [], []>, transpose_lhs_hint = false} : vector<512x64xf32>, vector<64x64xf32>, vector<512x64xf32> -> vector<512x64xf32>
    %get3A_55 = arith.constant 0 : index
    %get3A_56 = arith.constant 0 : index
    %get3A_57 = arith.constant 0 : index
    %get3A_58 = vector.load %arg0[%get3A_55, %get3A_56, %get3A_57] : memref<4x512x64xf32, #tpu.memory_space<vmem>>, vector<1x512x64xf32>
    %get3A_59 = vector.shape_cast %get3A_58 : vector<1x512x64xf32> to vector<512x64xf32>
    %dot_general3A_60 = arith.constant dense<0.000000e+00> : vector<512x64xf32>
    %dot_general3A_61 = tpu.matmul %get3A_59, %get3A_4, %dot_general3A_60 {dimension_numbers = #tpu.dot_dimension_numbers<[1], [1], [0], [0], [0, 0, 1, 0], [], []>, transpose_lhs_hint = false} : vector<512x64xf32>, vector<64x64xf32>, vector<512x64xf32> -> vector<512x64xf32>
    %get3A_62 = arith.constant 1 : index
    %get3A_63 = arith.constant 0 : index
    %get3A_64 = arith.constant 0 : index
    %get3A_65 = vector.load %arg0[%get3A_62, %get3A_63, %get3A_64] : memref<4x512x64xf32, #tpu.memory_space<vmem>>, vector<1x512x64xf32>
    %get3A_66 = vector.shape_cast %get3A_65 : vector<1x512x64xf32> to vector<512x64xf32>
    %dot_general3A_67 = arith.constant dense<0.000000e+00> : vector<512x64xf32>
    %dot_general3A_68 = tpu.matmul %get3A_66, %get3A_4, %dot_general3A_67 {dimension_numbers = #tpu.dot_dimension_numbers<[1], [1], [0], [0], [0, 0, 1, 0], [], []>, transpose_lhs_hint = false} : vector<512x64xf32>, vector<64x64xf32>, vector<512x64xf32> -> vector<512x64xf32>
    %get3A_69 = arith.constant 2 : index
    %get3A_70 = arith.constant 0 : index
    %get3A_71 = arith.constant 0 : index
    %get3A_72 = vector.load %arg0[%get3A_69, %get3A_70, %get3A_71] : memref<4x512x64xf32, #tpu.memory_space<vmem>>, vector<1x512x64xf32>
    %get3A_73 = vector.shape_cast %get3A_72 : vector<1x512x64xf32> to vector<512x64xf32>
    %dot_general3A_74 = arith.constant dense<0.000000e+00> : vector<512x64xf32>
    %dot_general3A_75 = tpu.matmul %get3A_73, %get3A_4, %dot_general3A_74 {dimension_numbers = #tpu.dot_dimension_numbers<[1], [1], [0], [0], [0, 0, 1, 0], [], []>, transpose_lhs_hint = false} : vector<512x64xf32>, vector<64x64xf32>, vector<512x64xf32> -> vector<512x64xf32>
    %get3A_76 = arith.constant 3 : index
    %get3A_77 = arith.constant 0 : index
    %get3A_78 = arith.constant 0 : index
    %get3A_79 = vector.load %arg0[%get3A_76, %get3A_77, %get3A_78] : memref<4x512x64xf32, #tpu.memory_space<vmem>>, vector<1x512x64xf32>
    %get3A_80 = vector.shape_cast %get3A_79 : vector<1x512x64xf32> to vector<512x64xf32>
    %dot_general3A_81 = arith.constant dense<0.000000e+00> : vector<512x64xf32>
    %dot_general3A_82 = tpu.matmul %get3A_80, %get3A_4, %dot_general3A_81 {dimension_numbers = #tpu.dot_dimension_numbers<[1], [1], [0], [0], [0, 0, 1, 0], [], []>, transpose_lhs_hint = false} : vector<512x64xf32>, vector<64x64xf32>, vector<512x64xf32> -> vector<512x64xf32>
    %concatenate3A = tpu.concatenate %get3A_12, %get3A_17, %get3A_22, %get3A_27, %dot_general3A_33, %dot_general3A_40, %dot_general3A_47, %dot_general3A_54, %dot_general3A_61, %dot_general3A_68, %dot_general3A_75, %dot_general3A_82 in 1 : vector<512x64xf32>, vector<512x64xf32>, vector<512x64xf32>, vector<512x64xf32>, vector<512x64xf32>, vector<512x64xf32>, vector<512x64xf32>, vector<512x64xf32>, vector<512x64xf32>, vector<512x64xf32>, vector<512x64xf32>, vector<512x64xf32> -> vector<512x768xf32>
    %get3A_83 = arith.constant 0 : index
    %get3A_84 = arith.constant 0 : index
    %get3A_85 = vector.load %arg1[%get3A_83, %get3A_84] : memref<12x64xi32, #tpu.memory_space<vmem>>, vector<12x64xi32>
    %convert_element_type3A = arith.sitofp %get3A_85 : vector<12x64xi32> to vector<12x64xf32>
    %iota3A = tpu.iota {dimensions = array<i32: 1>} : vector<64x512xi32>
    %iota3A_86 = tpu.iota {dimensions = array<i32: 1>} : vector<64x64xi32>
    %slice3A = vector.extract_strided_slice %convert_element_type3A {offsets = [0, 0], sizes = [1, 64], strides = [1, 1]} : vector<12x64xf32> to vector<1x64xf32>
    %transpose3A = tpu.transpose %slice3A, [1, 0] : vector<1x64xf32> -> vector<64x1xf32>
    %lt3A = vector.broadcast %slice3A : vector<1x64xf32> to vector<64x64xf32>
    %lt3A_87 = vector.broadcast %transpose3A : vector<64x1xf32> to vector<64x64xf32>
    %lt3A_88 = arith.cmpf olt, %lt3A, %lt3A_87 : vector<64x64xf32>
    %jit3A = arith.constant 1.000000e+00 : f32
    %jit3A_89 = arith.constant 0.000000e+00 : f32
    %broadcast_in_dim3A = vector.broadcast %jit3A : f32 to vector<64x64xf32>
    %broadcast_in_dim3A_90 = vector.broadcast %jit3A_89 : f32 to vector<64x64xf32>
    %select_n3A = arith.select %lt3A_88, %broadcast_in_dim3A, %broadcast_in_dim3A_90 : vector<64x64xi1>, vector<64x64xf32>
    %reduce_sum3A = arith.constant dense<0.000000e+00> : vector<64xf32>
    %reduce_sum3A_91 = vector.multi_reduction <add>, %select_n3A, %reduce_sum3A [1] : vector<64x64xf32> to vector<64xf32>
    %broadcast_in_dim3A_92 = vector.shape_cast %reduce_sum3A_91 : vector<64xf32> to vector<64x1xf32>
    %convert_element_type3A_93 = arith.fptosi %broadcast_in_dim3A_92 : vector<64x1xf32> to vector<64x1xi32>
    %eq3A = vector.broadcast %convert_element_type3A_93 : vector<64x1xi32> to vector<64x64xi32>
    %eq3A_94 = arith.cmpi eq, %eq3A, %iota3A_86 : vector<64x64xi32>
    %jit3A_95 = arith.constant 1.000000e+00 : f32
    %jit3A_96 = arith.constant 0.000000e+00 : f32
    %broadcast_in_dim3A_97 = vector.broadcast %jit3A_95 : f32 to vector<64x64xf32>
    %broadcast_in_dim3A_98 = vector.broadcast %jit3A_96 : f32 to vector<64x64xf32>
    %select_n3A_99 = arith.select %eq3A_94, %broadcast_in_dim3A_97, %broadcast_in_dim3A_98 : vector<64x64xi1>, vector<64x64xf32>
    %dot_general3A_100 = arith.constant dense<0.000000e+00> : vector<64x1xf32>
    %dot_general3A_101 = tpu.matmul %select_n3A_99, %transpose3A, %dot_general3A_100 {dimension_numbers = #tpu.dot_dimension_numbers<[0], [0], [1], [1], [0, 1, 1, 1], [], []>, precision = #tpu.contract_precision<fp32>, transpose_lhs_hint = false} : vector<64x64xf32>, vector<64x1xf32>, vector<64x1xf32> -> vector<64x1xf32>
    %convert_element_type3A_102 = arith.fptosi %dot_general3A_101 : vector<64x1xf32> to vector<64x1xi32>
    %eq3A_103 = vector.broadcast %convert_element_type3A_102 : vector<64x1xi32> to vector<64x512xi32>
    %eq3A_104 = arith.cmpi eq, %eq3A_103, %iota3A : vector<64x512xi32>
    %jit3A_105 = arith.constant 1.000000e+00 : f32
    %jit3A_106 = arith.constant 0.000000e+00 : f32
    %broadcast_in_dim3A_107 = vector.broadcast %jit3A_105 : f32 to vector<64x512xf32>
    %broadcast_in_dim3A_108 = vector.broadcast %jit3A_106 : f32 to vector<64x512xf32>
    %select_n3A_109 = arith.select %eq3A_104, %broadcast_in_dim3A_107, %broadcast_in_dim3A_108 : vector<64x512xi1>, vector<64x512xf32>
    %slice3A_110 = vector.extract_strided_slice %concatenate3A {offsets = [0, 0], sizes = [512, 64], strides = [1, 1]} : vector<512x768xf32> to vector<512x64xf32>
    %dot_general3A_111 = arith.constant dense<0.000000e+00> : vector<64x64xf32>
    %dot_general3A_112 = tpu.matmul %select_n3A_109, %slice3A_110, %dot_general3A_111 {dimension_numbers = #tpu.dot_dimension_numbers<[1], [0], [0], [1], [0, 0, 1, 1], [], []>, precision = #tpu.contract_precision<fp32>, transpose_lhs_hint = false} : vector<64x512xf32>, vector<512x64xf32>, vector<64x64xf32> -> vector<64x64xf32>
    %slice3A_113 = vector.extract_strided_slice %convert_element_type3A {offsets = [1, 0], sizes = [1, 64], strides = [1, 1]} : vector<12x64xf32> to vector<1x64xf32>
    %transpose3A_114 = tpu.transpose %slice3A_113, [1, 0] : vector<1x64xf32> -> vector<64x1xf32>
    %lt3A_115 = vector.broadcast %slice3A_113 : vector<1x64xf32> to vector<64x64xf32>
    %lt3A_116 = vector.broadcast %transpose3A_114 : vector<64x1xf32> to vector<64x64xf32>
    %lt3A_117 = arith.cmpf olt, %lt3A_115, %lt3A_116 : vector<64x64xf32>
    %jit3A_118 = arith.constant 1.000000e+00 : f32
    %jit3A_119 = arith.constant 0.000000e+00 : f32
    %broadcast_in_dim3A_120 = vector.broadcast %jit3A_118 : f32 to vector<64x64xf32>
    %broadcast_in_dim3A_121 = vector.broadcast %jit3A_119 : f32 to vector<64x64xf32>
    %select_n3A_122 = arith.select %lt3A_117, %broadcast_in_dim3A_120, %broadcast_in_dim3A_121 : vector<64x64xi1>, vector<64x64xf32>
    %reduce_sum3A_123 = arith.constant dense<0.000000e+00> : vector<64xf32>
    %reduce_sum3A_124 = vector.multi_reduction <add>, %select_n3A_122, %reduce_sum3A_123 [1] : vector<64x64xf32> to vector<64xf32>
    %broadcast_in_dim3A_125 = vector.shape_cast %reduce_sum3A_124 : vector<64xf32> to vector<64x1xf32>
    %convert_element_type3A_126 = arith.fptosi %broadcast_in_dim3A_125 : vector<64x1xf32> to vector<64x1xi32>
    %eq3A_127 = vector.broadcast %convert_element_type3A_126 : vector<64x1xi32> to vector<64x64xi32>
    %eq3A_128 = arith.cmpi eq, %eq3A_127, %iota3A_86 : vector<64x64xi32>
    %jit3A_129 = arith.constant 1.000000e+00 : f32
    %jit3A_130 = arith.constant 0.000000e+00 : f32
    %broadcast_in_dim3A_131 = vector.broadcast %jit3A_129 : f32 to vector<64x64xf32>
    %broadcast_in_dim3A_132 = vector.broadcast %jit3A_130 : f32 to vector<64x64xf32>
    %select_n3A_133 = arith.select %eq3A_128, %broadcast_in_dim3A_131, %broadcast_in_dim3A_132 : vector<64x64xi1>, vector<64x64xf32>
    %dot_general3A_134 = arith.constant dense<0.000000e+00> : vector<64x1xf32>
    %dot_general3A_135 = tpu.matmul %select_n3A_133, %transpose3A_114, %dot_general3A_134 {dimension_numbers = #tpu.dot_dimension_numbers<[0], [0], [1], [1], [0, 1, 1, 1], [], []>, precision = #tpu.contract_precision<fp32>, transpose_lhs_hint = false} : vector<64x64xf32>, vector<64x1xf32>, vector<64x1xf32> -> vector<64x1xf32>
    %convert_element_type3A_136 = arith.fptosi %dot_general3A_135 : vector<64x1xf32> to vector<64x1xi32>
    %eq3A_137 = vector.broadcast %convert_element_type3A_136 : vector<64x1xi32> to vector<64x512xi32>
    %eq3A_138 = arith.cmpi eq, %eq3A_137, %iota3A : vector<64x512xi32>
    %jit3A_139 = arith.constant 1.000000e+00 : f32
    %jit3A_140 = arith.constant 0.000000e+00 : f32
    %broadcast_in_dim3A_141 = vector.broadcast %jit3A_139 : f32 to vector<64x512xf32>
    %broadcast_in_dim3A_142 = vector.broadcast %jit3A_140 : f32 to vector<64x512xf32>
    %select_n3A_143 = arith.select %eq3A_138, %broadcast_in_dim3A_141, %broadcast_in_dim3A_142 : vector<64x512xi1>, vector<64x512xf32>
    %slice3A_144 = vector.extract_strided_slice %concatenate3A {offsets = [0, 64], sizes = [512, 64], strides = [1, 1]} : vector<512x768xf32> to vector<512x64xf32>
    %dot_general3A_145 = arith.constant dense<0.000000e+00> : vector<64x64xf32>
    %dot_general3A_146 = tpu.matmul %select_n3A_143, %slice3A_144, %dot_general3A_145 {dimension_numbers = #tpu.dot_dimension_numbers<[1], [0], [0], [1], [0, 0, 1, 1], [], []>, precision = #tpu.contract_precision<fp32>, transpose_lhs_hint = false} : vector<64x512xf32>, vector<512x64xf32>, vector<64x64xf32> -> vector<64x64xf32>
    %slice3A_147 = vector.extract_strided_slice %convert_element_type3A {offsets = [2, 0], sizes = [1, 64], strides = [1, 1]} : vector<12x64xf32> to vector<1x64xf32>
    %transpose3A_148 = tpu.transpose %slice3A_147, [1, 0] : vector<1x64xf32> -> vector<64x1xf32>
    %lt3A_149 = vector.broadcast %slice3A_147 : vector<1x64xf32> to vector<64x64xf32>
    %lt3A_150 = vector.broadcast %transpose3A_148 : vector<64x1xf32> to vector<64x64xf32>
    %lt3A_151 = arith.cmpf olt, %lt3A_149, %lt3A_150 : vector<64x64xf32>
    %jit3A_152 = arith.constant 1.000000e+00 : f32
    %jit3A_153 = arith.constant 0.000000e+00 : f32
    %broadcast_in_dim3A_154 = vector.broadcast %jit3A_152 : f32 to vector<64x64xf32>
    %broadcast_in_dim3A_155 = vector.broadcast %jit3A_153 : f32 to vector<64x64xf32>
    %select_n3A_156 = arith.select %lt3A_151, %broadcast_in_dim3A_154, %broadcast_in_dim3A_155 : vector<64x64xi1>, vector<64x64xf32>
    %reduce_sum3A_157 = arith.constant dense<0.000000e+00> : vector<64xf32>
    %reduce_sum3A_158 = vector.multi_reduction <add>, %select_n3A_156, %reduce_sum3A_157 [1] : vector<64x64xf32> to vector<64xf32>
    %broadcast_in_dim3A_159 = vector.shape_cast %reduce_sum3A_158 : vector<64xf32> to vector<64x1xf32>
    %convert_element_type3A_160 = arith.fptosi %broadcast_in_dim3A_159 : vector<64x1xf32> to vector<64x1xi32>
    %eq3A_161 = vector.broadcast %convert_element_type3A_160 : vector<64x1xi32> to vector<64x64xi32>
    %eq3A_162 = arith.cmpi eq, %eq3A_161, %iota3A_86 : vector<64x64xi32>
    %jit3A_163 = arith.constant 1.000000e+00 : f32
    %jit3A_164 = arith.constant 0.000000e+00 : f32
    %broadcast_in_dim3A_165 = vector.broadcast %jit3A_163 : f32 to vector<64x64xf32>
    %broadcast_in_dim3A_166 = vector.broadcast %jit3A_164 : f32 to vector<64x64xf32>
    %select_n3A_167 = arith.select %eq3A_162, %broadcast_in_dim3A_165, %broadcast_in_dim3A_166 : vector<64x64xi1>, vector<64x64xf32>
    %dot_general3A_168 = arith.constant dense<0.000000e+00> : vector<64x1xf32>
    %dot_general3A_169 = tpu.matmul %select_n3A_167, %transpose3A_148, %dot_general3A_168 {dimension_numbers = #tpu.dot_dimension_numbers<[0], [0], [1], [1], [0, 1, 1, 1], [], []>, precision = #tpu.contract_precision<fp32>, transpose_lhs_hint = false} : vector<64x64xf32>, vector<64x1xf32>, vector<64x1xf32> -> vector<64x1xf32>
    %convert_element_type3A_170 = arith.fptosi %dot_general3A_169 : vector<64x1xf32> to vector<64x1xi32>
    %eq3A_171 = vector.broadcast %convert_element_type3A_170 : vector<64x1xi32> to vector<64x512xi32>
    %eq3A_172 = arith.cmpi eq, %eq3A_171, %iota3A : vector<64x512xi32>
    %jit3A_173 = arith.constant 1.000000e+00 : f32
    %jit3A_174 = arith.constant 0.000000e+00 : f32
    %broadcast_in_dim3A_175 = vector.broadcast %jit3A_173 : f32 to vector<64x512xf32>
    %broadcast_in_dim3A_176 = vector.broadcast %jit3A_174 : f32 to vector<64x512xf32>
    %select_n3A_177 = arith.select %eq3A_172, %broadcast_in_dim3A_175, %broadcast_in_dim3A_176 : vector<64x512xi1>, vector<64x512xf32>
    %slice3A_178 = vector.extract_strided_slice %concatenate3A {offsets = [0, 128], sizes = [512, 64], strides = [1, 1]} : vector<512x768xf32> to vector<512x64xf32>
    %dot_general3A_179 = arith.constant dense<0.000000e+00> : vector<64x64xf32>
    %dot_general3A_180 = tpu.matmul %select_n3A_177, %slice3A_178, %dot_general3A_179 {dimension_numbers = #tpu.dot_dimension_numbers<[1], [0], [0], [1], [0, 0, 1, 1], [], []>, precision = #tpu.contract_precision<fp32>, transpose_lhs_hint = false} : vector<64x512xf32>, vector<512x64xf32>, vector<64x64xf32> -> vector<64x64xf32>
    %slice3A_181 = vector.extract_strided_slice %convert_element_type3A {offsets = [3, 0], sizes = [1, 64], strides = [1, 1]} : vector<12x64xf32> to vector<1x64xf32>
    %transpose3A_182 = tpu.transpose %slice3A_181, [1, 0] : vector<1x64xf32> -> vector<64x1xf32>
    %lt3A_183 = vector.broadcast %slice3A_181 : vector<1x64xf32> to vector<64x64xf32>
    %lt3A_184 = vector.broadcast %transpose3A_182 : vector<64x1xf32> to vector<64x64xf32>
    %lt3A_185 = arith.cmpf olt, %lt3A_183, %lt3A_184 : vector<64x64xf32>
    %jit3A_186 = arith.constant 1.000000e+00 : f32
    %jit3A_187 = arith.constant 0.000000e+00 : f32
    %broadcast_in_dim3A_188 = vector.broadcast %jit3A_186 : f32 to vector<64x64xf32>
    %broadcast_in_dim3A_189 = vector.broadcast %jit3A_187 : f32 to vector<64x64xf32>
    %select_n3A_190 = arith.select %lt3A_185, %broadcast_in_dim3A_188, %broadcast_in_dim3A_189 : vector<64x64xi1>, vector<64x64xf32>
    %reduce_sum3A_191 = arith.constant dense<0.000000e+00> : vector<64xf32>
    %reduce_sum3A_192 = vector.multi_reduction <add>, %select_n3A_190, %reduce_sum3A_191 [1] : vector<64x64xf32> to vector<64xf32>
    %broadcast_in_dim3A_193 = vector.shape_cast %reduce_sum3A_192 : vector<64xf32> to vector<64x1xf32>
    %convert_element_type3A_194 = arith.fptosi %broadcast_in_dim3A_193 : vector<64x1xf32> to vector<64x1xi32>
    %eq3A_195 = vector.broadcast %convert_element_type3A_194 : vector<64x1xi32> to vector<64x64xi32>
    %eq3A_196 = arith.cmpi eq, %eq3A_195, %iota3A_86 : vector<64x64xi32>
    %jit3A_197 = arith.constant 1.000000e+00 : f32
    %jit3A_198 = arith.constant 0.000000e+00 : f32
    %broadcast_in_dim3A_199 = vector.broadcast %jit3A_197 : f32 to vector<64x64xf32>
    %broadcast_in_dim3A_200 = vector.broadcast %jit3A_198 : f32 to vector<64x64xf32>
    %select_n3A_201 = arith.select %eq3A_196, %broadcast_in_dim3A_199, %broadcast_in_dim3A_200 : vector<64x64xi1>, vector<64x64xf32>
    %dot_general3A_202 = arith.constant dense<0.000000e+00> : vector<64x1xf32>
    %dot_general3A_203 = tpu.matmul %select_n3A_201, %transpose3A_182, %dot_general3A_202 {dimension_numbers = #tpu.dot_dimension_numbers<[0], [0], [1], [1], [0, 1, 1, 1], [], []>, precision = #tpu.contract_precision<fp32>, transpose_lhs_hint = false} : vector<64x64xf32>, vector<64x1xf32>, vector<64x1xf32> -> vector<64x1xf32>
    %convert_element_type3A_204 = arith.fptosi %dot_general3A_203 : vector<64x1xf32> to vector<64x1xi32>
    %eq3A_205 = vector.broadcast %convert_element_type3A_204 : vector<64x1xi32> to vector<64x512xi32>
    %eq3A_206 = arith.cmpi eq, %eq3A_205, %iota3A : vector<64x512xi32>
    %jit3A_207 = arith.constant 1.000000e+00 : f32
    %jit3A_208 = arith.constant 0.000000e+00 : f32
    %broadcast_in_dim3A_209 = vector.broadcast %jit3A_207 : f32 to vector<64x512xf32>
    %broadcast_in_dim3A_210 = vector.broadcast %jit3A_208 : f32 to vector<64x512xf32>
    %select_n3A_211 = arith.select %eq3A_206, %broadcast_in_dim3A_209, %broadcast_in_dim3A_210 : vector<64x512xi1>, vector<64x512xf32>
    %slice3A_212 = vector.extract_strided_slice %concatenate3A {offsets = [0, 192], sizes = [512, 64], strides = [1, 1]} : vector<512x768xf32> to vector<512x64xf32>
    %dot_general3A_213 = arith.constant dense<0.000000e+00> : vector<64x64xf32>
    %dot_general3A_214 = tpu.matmul %select_n3A_211, %slice3A_212, %dot_general3A_213 {dimension_numbers = #tpu.dot_dimension_numbers<[1], [0], [0], [1], [0, 0, 1, 1], [], []>, precision = #tpu.contract_precision<fp32>, transpose_lhs_hint = false} : vector<64x512xf32>, vector<512x64xf32>, vector<64x64xf32> -> vector<64x64xf32>
    %slice3A_215 = vector.extract_strided_slice %convert_element_type3A {offsets = [4, 0], sizes = [1, 64], strides = [1, 1]} : vector<12x64xf32> to vector<1x64xf32>
    %transpose3A_216 = tpu.transpose %slice3A_215, [1, 0] : vector<1x64xf32> -> vector<64x1xf32>
    %lt3A_217 = vector.broadcast %slice3A_215 : vector<1x64xf32> to vector<64x64xf32>
    %lt3A_218 = vector.broadcast %transpose3A_216 : vector<64x1xf32> to vector<64x64xf32>
    %lt3A_219 = arith.cmpf olt, %lt3A_217, %lt3A_218 : vector<64x64xf32>
    %jit3A_220 = arith.constant 1.000000e+00 : f32
    %jit3A_221 = arith.constant 0.000000e+00 : f32
    %broadcast_in_dim3A_222 = vector.broadcast %jit3A_220 : f32 to vector<64x64xf32>
    %broadcast_in_dim3A_223 = vector.broadcast %jit3A_221 : f32 to vector<64x64xf32>
    %select_n3A_224 = arith.select %lt3A_219, %broadcast_in_dim3A_222, %broadcast_in_dim3A_223 : vector<64x64xi1>, vector<64x64xf32>
    %reduce_sum3A_225 = arith.constant dense<0.000000e+00> : vector<64xf32>
    %reduce_sum3A_226 = vector.multi_reduction <add>, %select_n3A_224, %reduce_sum3A_225 [1] : vector<64x64xf32> to vector<64xf32>
    %broadcast_in_dim3A_227 = vector.shape_cast %reduce_sum3A_226 : vector<64xf32> to vector<64x1xf32>
    %convert_element_type3A_228 = arith.fptosi %broadcast_in_dim3A_227 : vector<64x1xf32> to vector<64x1xi32>
    %eq3A_229 = vector.broadcast %convert_element_type3A_228 : vector<64x1xi32> to vector<64x64xi32>
    %eq3A_230 = arith.cmpi eq, %eq3A_229, %iota3A_86 : vector<64x64xi32>
    %jit3A_231 = arith.constant 1.000000e+00 : f32
    %jit3A_232 = arith.constant 0.000000e+00 : f32
    %broadcast_in_dim3A_233 = vector.broadcast %jit3A_231 : f32 to vector<64x64xf32>
    %broadcast_in_dim3A_234 = vector.broadcast %jit3A_232 : f32 to vector<64x64xf32>
    %select_n3A_235 = arith.select %eq3A_230, %broadcast_in_dim3A_233, %broadcast_in_dim3A_234 : vector<64x64xi1>, vector<64x64xf32>
    %dot_general3A_236 = arith.constant dense<0.000000e+00> : vector<64x1xf32>
    %dot_general3A_237 = tpu.matmul %select_n3A_235, %transpose3A_216, %dot_general3A_236 {dimension_numbers = #tpu.dot_dimension_numbers<[0], [0], [1], [1], [0, 1, 1, 1], [], []>, precision = #tpu.contract_precision<fp32>, transpose_lhs_hint = false} : vector<64x64xf32>, vector<64x1xf32>, vector<64x1xf32> -> vector<64x1xf32>
    %convert_element_type3A_238 = arith.fptosi %dot_general3A_237 : vector<64x1xf32> to vector<64x1xi32>
    %eq3A_239 = vector.broadcast %convert_element_type3A_238 : vector<64x1xi32> to vector<64x512xi32>
    %eq3A_240 = arith.cmpi eq, %eq3A_239, %iota3A : vector<64x512xi32>
    %jit3A_241 = arith.constant 1.000000e+00 : f32
    %jit3A_242 = arith.constant 0.000000e+00 : f32
    %broadcast_in_dim3A_243 = vector.broadcast %jit3A_241 : f32 to vector<64x512xf32>
    %broadcast_in_dim3A_244 = vector.broadcast %jit3A_242 : f32 to vector<64x512xf32>
    %select_n3A_245 = arith.select %eq3A_240, %broadcast_in_dim3A_243, %broadcast_in_dim3A_244 : vector<64x512xi1>, vector<64x512xf32>
    %slice3A_246 = vector.extract_strided_slice %concatenate3A {offsets = [0, 256], sizes = [512, 64], strides = [1, 1]} : vector<512x768xf32> to vector<512x64xf32>
    %dot_general3A_247 = arith.constant dense<0.000000e+00> : vector<64x64xf32>
    %dot_general3A_248 = tpu.matmul %select_n3A_245, %slice3A_246, %dot_general3A_247 {dimension_numbers = #tpu.dot_dimension_numbers<[1], [0], [0], [1], [0, 0, 1, 1], [], []>, precision = #tpu.contract_precision<fp32>, transpose_lhs_hint = false} : vector<64x512xf32>, vector<512x64xf32>, vector<64x64xf32> -> vector<64x64xf32>
    %slice3A_249 = vector.extract_strided_slice %convert_element_type3A {offsets = [5, 0], sizes = [1, 64], strides = [1, 1]} : vector<12x64xf32> to vector<1x64xf32>
    %transpose3A_250 = tpu.transpose %slice3A_249, [1, 0] : vector<1x64xf32> -> vector<64x1xf32>
    %lt3A_251 = vector.broadcast %slice3A_249 : vector<1x64xf32> to vector<64x64xf32>
    %lt3A_252 = vector.broadcast %transpose3A_250 : vector<64x1xf32> to vector<64x64xf32>
    %lt3A_253 = arith.cmpf olt, %lt3A_251, %lt3A_252 : vector<64x64xf32>
    %jit3A_254 = arith.constant 1.000000e+00 : f32
    %jit3A_255 = arith.constant 0.000000e+00 : f32
    %broadcast_in_dim3A_256 = vector.broadcast %jit3A_254 : f32 to vector<64x64xf32>
    %broadcast_in_dim3A_257 = vector.broadcast %jit3A_255 : f32 to vector<64x64xf32>
    %select_n3A_258 = arith.select %lt3A_253, %broadcast_in_dim3A_256, %broadcast_in_dim3A_257 : vector<64x64xi1>, vector<64x64xf32>
    %reduce_sum3A_259 = arith.constant dense<0.000000e+00> : vector<64xf32>
    %reduce_sum3A_260 = vector.multi_reduction <add>, %select_n3A_258, %reduce_sum3A_259 [1] : vector<64x64xf32> to vector<64xf32>
    %broadcast_in_dim3A_261 = vector.shape_cast %reduce_sum3A_260 : vector<64xf32> to vector<64x1xf32>
    %convert_element_type3A_262 = arith.fptosi %broadcast_in_dim3A_261 : vector<64x1xf32> to vector<64x1xi32>
    %eq3A_263 = vector.broadcast %convert_element_type3A_262 : vector<64x1xi32> to vector<64x64xi32>
    %eq3A_264 = arith.cmpi eq, %eq3A_263, %iota3A_86 : vector<64x64xi32>
    %jit3A_265 = arith.constant 1.000000e+00 : f32
    %jit3A_266 = arith.constant 0.000000e+00 : f32
    %broadcast_in_dim3A_267 = vector.broadcast %jit3A_265 : f32 to vector<64x64xf32>
    %broadcast_in_dim3A_268 = vector.broadcast %jit3A_266 : f32 to vector<64x64xf32>
    %select_n3A_269 = arith.select %eq3A_264, %broadcast_in_dim3A_267, %broadcast_in_dim3A_268 : vector<64x64xi1>, vector<64x64xf32>
    %dot_general3A_270 = arith.constant dense<0.000000e+00> : vector<64x1xf32>
    %dot_general3A_271 = tpu.matmul %select_n3A_269, %transpose3A_250, %dot_general3A_270 {dimension_numbers = #tpu.dot_dimension_numbers<[0], [0], [1], [1], [0, 1, 1, 1], [], []>, precision = #tpu.contract_precision<fp32>, transpose_lhs_hint = false} : vector<64x64xf32>, vector<64x1xf32>, vector<64x1xf32> -> vector<64x1xf32>
    %convert_element_type3A_272 = arith.fptosi %dot_general3A_271 : vector<64x1xf32> to vector<64x1xi32>
    %eq3A_273 = vector.broadcast %convert_element_type3A_272 : vector<64x1xi32> to vector<64x512xi32>
    %eq3A_274 = arith.cmpi eq, %eq3A_273, %iota3A : vector<64x512xi32>
    %jit3A_275 = arith.constant 1.000000e+00 : f32
    %jit3A_276 = arith.constant 0.000000e+00 : f32
    %broadcast_in_dim3A_277 = vector.broadcast %jit3A_275 : f32 to vector<64x512xf32>
    %broadcast_in_dim3A_278 = vector.broadcast %jit3A_276 : f32 to vector<64x512xf32>
    %select_n3A_279 = arith.select %eq3A_274, %broadcast_in_dim3A_277, %broadcast_in_dim3A_278 : vector<64x512xi1>, vector<64x512xf32>
    %slice3A_280 = vector.extract_strided_slice %concatenate3A {offsets = [0, 320], sizes = [512, 64], strides = [1, 1]} : vector<512x768xf32> to vector<512x64xf32>
    %dot_general3A_281 = arith.constant dense<0.000000e+00> : vector<64x64xf32>
    %dot_general3A_282 = tpu.matmul %select_n3A_279, %slice3A_280, %dot_general3A_281 {dimension_numbers = #tpu.dot_dimension_numbers<[1], [0], [0], [1], [0, 0, 1, 1], [], []>, precision = #tpu.contract_precision<fp32>, transpose_lhs_hint = false} : vector<64x512xf32>, vector<512x64xf32>, vector<64x64xf32> -> vector<64x64xf32>
    %slice3A_283 = vector.extract_strided_slice %convert_element_type3A {offsets = [6, 0], sizes = [1, 64], strides = [1, 1]} : vector<12x64xf32> to vector<1x64xf32>
    %transpose3A_284 = tpu.transpose %slice3A_283, [1, 0] : vector<1x64xf32> -> vector<64x1xf32>
    %lt3A_285 = vector.broadcast %slice3A_283 : vector<1x64xf32> to vector<64x64xf32>
    %lt3A_286 = vector.broadcast %transpose3A_284 : vector<64x1xf32> to vector<64x64xf32>
    %lt3A_287 = arith.cmpf olt, %lt3A_285, %lt3A_286 : vector<64x64xf32>
    %jit3A_288 = arith.constant 1.000000e+00 : f32
    %jit3A_289 = arith.constant 0.000000e+00 : f32
    %broadcast_in_dim3A_290 = vector.broadcast %jit3A_288 : f32 to vector<64x64xf32>
    %broadcast_in_dim3A_291 = vector.broadcast %jit3A_289 : f32 to vector<64x64xf32>
    %select_n3A_292 = arith.select %lt3A_287, %broadcast_in_dim3A_290, %broadcast_in_dim3A_291 : vector<64x64xi1>, vector<64x64xf32>
    %reduce_sum3A_293 = arith.constant dense<0.000000e+00> : vector<64xf32>
    %reduce_sum3A_294 = vector.multi_reduction <add>, %select_n3A_292, %reduce_sum3A_293 [1] : vector<64x64xf32> to vector<64xf32>
    %broadcast_in_dim3A_295 = vector.shape_cast %reduce_sum3A_294 : vector<64xf32> to vector<64x1xf32>
    %convert_element_type3A_296 = arith.fptosi %broadcast_in_dim3A_295 : vector<64x1xf32> to vector<64x1xi32>
    %eq3A_297 = vector.broadcast %convert_element_type3A_296 : vector<64x1xi32> to vector<64x64xi32>
    %eq3A_298 = arith.cmpi eq, %eq3A_297, %iota3A_86 : vector<64x64xi32>
    %jit3A_299 = arith.constant 1.000000e+00 : f32
    %jit3A_300 = arith.constant 0.000000e+00 : f32
    %broadcast_in_dim3A_301 = vector.broadcast %jit3A_299 : f32 to vector<64x64xf32>
    %broadcast_in_dim3A_302 = vector.broadcast %jit3A_300 : f32 to vector<64x64xf32>
    %select_n3A_303 = arith.select %eq3A_298, %broadcast_in_dim3A_301, %broadcast_in_dim3A_302 : vector<64x64xi1>, vector<64x64xf32>
    %dot_general3A_304 = arith.constant dense<0.000000e+00> : vector<64x1xf32>
    %dot_general3A_305 = tpu.matmul %select_n3A_303, %transpose3A_284, %dot_general3A_304 {dimension_numbers = #tpu.dot_dimension_numbers<[0], [0], [1], [1], [0, 1, 1, 1], [], []>, precision = #tpu.contract_precision<fp32>, transpose_lhs_hint = false} : vector<64x64xf32>, vector<64x1xf32>, vector<64x1xf32> -> vector<64x1xf32>
    %convert_element_type3A_306 = arith.fptosi %dot_general3A_305 : vector<64x1xf32> to vector<64x1xi32>
    %eq3A_307 = vector.broadcast %convert_element_type3A_306 : vector<64x1xi32> to vector<64x512xi32>
    %eq3A_308 = arith.cmpi eq, %eq3A_307, %iota3A : vector<64x512xi32>
    %jit3A_309 = arith.constant 1.000000e+00 : f32
    %jit3A_310 = arith.constant 0.000000e+00 : f32
    %broadcast_in_dim3A_311 = vector.broadcast %jit3A_309 : f32 to vector<64x512xf32>
    %broadcast_in_dim3A_312 = vector.broadcast %jit3A_310 : f32 to vector<64x512xf32>
    %select_n3A_313 = arith.select %eq3A_308, %broadcast_in_dim3A_311, %broadcast_in_dim3A_312 : vector<64x512xi1>, vector<64x512xf32>
    %slice3A_314 = vector.extract_strided_slice %concatenate3A {offsets = [0, 384], sizes = [512, 64], strides = [1, 1]} : vector<512x768xf32> to vector<512x64xf32>
    %dot_general3A_315 = arith.constant dense<0.000000e+00> : vector<64x64xf32>
    %dot_general3A_316 = tpu.matmul %select_n3A_313, %slice3A_314, %dot_general3A_315 {dimension_numbers = #tpu.dot_dimension_numbers<[1], [0], [0], [1], [0, 0, 1, 1], [], []>, precision = #tpu.contract_precision<fp32>, transpose_lhs_hint = false} : vector<64x512xf32>, vector<512x64xf32>, vector<64x64xf32> -> vector<64x64xf32>
    %slice3A_317 = vector.extract_strided_slice %convert_element_type3A {offsets = [7, 0], sizes = [1, 64], strides = [1, 1]} : vector<12x64xf32> to vector<1x64xf32>
    %transpose3A_318 = tpu.transpose %slice3A_317, [1, 0] : vector<1x64xf32> -> vector<64x1xf32>
    %lt3A_319 = vector.broadcast %slice3A_317 : vector<1x64xf32> to vector<64x64xf32>
    %lt3A_320 = vector.broadcast %transpose3A_318 : vector<64x1xf32> to vector<64x64xf32>
    %lt3A_321 = arith.cmpf olt, %lt3A_319, %lt3A_320 : vector<64x64xf32>
    %jit3A_322 = arith.constant 1.000000e+00 : f32
    %jit3A_323 = arith.constant 0.000000e+00 : f32
    %broadcast_in_dim3A_324 = vector.broadcast %jit3A_322 : f32 to vector<64x64xf32>
    %broadcast_in_dim3A_325 = vector.broadcast %jit3A_323 : f32 to vector<64x64xf32>
    %select_n3A_326 = arith.select %lt3A_321, %broadcast_in_dim3A_324, %broadcast_in_dim3A_325 : vector<64x64xi1>, vector<64x64xf32>
    %reduce_sum3A_327 = arith.constant dense<0.000000e+00> : vector<64xf32>
    %reduce_sum3A_328 = vector.multi_reduction <add>, %select_n3A_326, %reduce_sum3A_327 [1] : vector<64x64xf32> to vector<64xf32>
    %broadcast_in_dim3A_329 = vector.shape_cast %reduce_sum3A_328 : vector<64xf32> to vector<64x1xf32>
    %convert_element_type3A_330 = arith.fptosi %broadcast_in_dim3A_329 : vector<64x1xf32> to vector<64x1xi32>
    %eq3A_331 = vector.broadcast %convert_element_type3A_330 : vector<64x1xi32> to vector<64x64xi32>
    %eq3A_332 = arith.cmpi eq, %eq3A_331, %iota3A_86 : vector<64x64xi32>
    %jit3A_333 = arith.constant 1.000000e+00 : f32
    %jit3A_334 = arith.constant 0.000000e+00 : f32
    %broadcast_in_dim3A_335 = vector.broadcast %jit3A_333 : f32 to vector<64x64xf32>
    %broadcast_in_dim3A_336 = vector.broadcast %jit3A_334 : f32 to vector<64x64xf32>
    %select_n3A_337 = arith.select %eq3A_332, %broadcast_in_dim3A_335, %broadcast_in_dim3A_336 : vector<64x64xi1>, vector<64x64xf32>
    %dot_general3A_338 = arith.constant dense<0.000000e+00> : vector<64x1xf32>
    %dot_general3A_339 = tpu.matmul %select_n3A_337, %transpose3A_318, %dot_general3A_338 {dimension_numbers = #tpu.dot_dimension_numbers<[0], [0], [1], [1], [0, 1, 1, 1], [], []>, precision = #tpu.contract_precision<fp32>, transpose_lhs_hint = false} : vector<64x64xf32>, vector<64x1xf32>, vector<64x1xf32> -> vector<64x1xf32>
    %convert_element_type3A_340 = arith.fptosi %dot_general3A_339 : vector<64x1xf32> to vector<64x1xi32>
    %eq3A_341 = vector.broadcast %convert_element_type3A_340 : vector<64x1xi32> to vector<64x512xi32>
    %eq3A_342 = arith.cmpi eq, %eq3A_341, %iota3A : vector<64x512xi32>
    %jit3A_343 = arith.constant 1.000000e+00 : f32
    %jit3A_344 = arith.constant 0.000000e+00 : f32
    %broadcast_in_dim3A_345 = vector.broadcast %jit3A_343 : f32 to vector<64x512xf32>
    %broadcast_in_dim3A_346 = vector.broadcast %jit3A_344 : f32 to vector<64x512xf32>
    %select_n3A_347 = arith.select %eq3A_342, %broadcast_in_dim3A_345, %broadcast_in_dim3A_346 : vector<64x512xi1>, vector<64x512xf32>
    %slice3A_348 = vector.extract_strided_slice %concatenate3A {offsets = [0, 448], sizes = [512, 64], strides = [1, 1]} : vector<512x768xf32> to vector<512x64xf32>
    %dot_general3A_349 = arith.constant dense<0.000000e+00> : vector<64x64xf32>
    %dot_general3A_350 = tpu.matmul %select_n3A_347, %slice3A_348, %dot_general3A_349 {dimension_numbers = #tpu.dot_dimension_numbers<[1], [0], [0], [1], [0, 0, 1, 1], [], []>, precision = #tpu.contract_precision<fp32>, transpose_lhs_hint = false} : vector<64x512xf32>, vector<512x64xf32>, vector<64x64xf32> -> vector<64x64xf32>
    %slice3A_351 = vector.extract_strided_slice %convert_element_type3A {offsets = [8, 0], sizes = [1, 64], strides = [1, 1]} : vector<12x64xf32> to vector<1x64xf32>
    %transpose3A_352 = tpu.transpose %slice3A_351, [1, 0] : vector<1x64xf32> -> vector<64x1xf32>
    %lt3A_353 = vector.broadcast %slice3A_351 : vector<1x64xf32> to vector<64x64xf32>
    %lt3A_354 = vector.broadcast %transpose3A_352 : vector<64x1xf32> to vector<64x64xf32>
    %lt3A_355 = arith.cmpf olt, %lt3A_353, %lt3A_354 : vector<64x64xf32>
    %jit3A_356 = arith.constant 1.000000e+00 : f32
    %jit3A_357 = arith.constant 0.000000e+00 : f32
    %broadcast_in_dim3A_358 = vector.broadcast %jit3A_356 : f32 to vector<64x64xf32>
    %broadcast_in_dim3A_359 = vector.broadcast %jit3A_357 : f32 to vector<64x64xf32>
    %select_n3A_360 = arith.select %lt3A_355, %broadcast_in_dim3A_358, %broadcast_in_dim3A_359 : vector<64x64xi1>, vector<64x64xf32>
    %reduce_sum3A_361 = arith.constant dense<0.000000e+00> : vector<64xf32>
    %reduce_sum3A_362 = vector.multi_reduction <add>, %select_n3A_360, %reduce_sum3A_361 [1] : vector<64x64xf32> to vector<64xf32>
    %broadcast_in_dim3A_363 = vector.shape_cast %reduce_sum3A_362 : vector<64xf32> to vector<64x1xf32>
    %convert_element_type3A_364 = arith.fptosi %broadcast_in_dim3A_363 : vector<64x1xf32> to vector<64x1xi32>
    %eq3A_365 = vector.broadcast %convert_element_type3A_364 : vector<64x1xi32> to vector<64x64xi32>
    %eq3A_366 = arith.cmpi eq, %eq3A_365, %iota3A_86 : vector<64x64xi32>
    %jit3A_367 = arith.constant 1.000000e+00 : f32
    %jit3A_368 = arith.constant 0.000000e+00 : f32
    %broadcast_in_dim3A_369 = vector.broadcast %jit3A_367 : f32 to vector<64x64xf32>
    %broadcast_in_dim3A_370 = vector.broadcast %jit3A_368 : f32 to vector<64x64xf32>
    %select_n3A_371 = arith.select %eq3A_366, %broadcast_in_dim3A_369, %broadcast_in_dim3A_370 : vector<64x64xi1>, vector<64x64xf32>
    %dot_general3A_372 = arith.constant dense<0.000000e+00> : vector<64x1xf32>
    %dot_general3A_373 = tpu.matmul %select_n3A_371, %transpose3A_352, %dot_general3A_372 {dimension_numbers = #tpu.dot_dimension_numbers<[0], [0], [1], [1], [0, 1, 1, 1], [], []>, precision = #tpu.contract_precision<fp32>, transpose_lhs_hint = false} : vector<64x64xf32>, vector<64x1xf32>, vector<64x1xf32> -> vector<64x1xf32>
    %convert_element_type3A_374 = arith.fptosi %dot_general3A_373 : vector<64x1xf32> to vector<64x1xi32>
    %eq3A_375 = vector.broadcast %convert_element_type3A_374 : vector<64x1xi32> to vector<64x512xi32>
    %eq3A_376 = arith.cmpi eq, %eq3A_375, %iota3A : vector<64x512xi32>
    %jit3A_377 = arith.constant 1.000000e+00 : f32
    %jit3A_378 = arith.constant 0.000000e+00 : f32
    %broadcast_in_dim3A_379 = vector.broadcast %jit3A_377 : f32 to vector<64x512xf32>
    %broadcast_in_dim3A_380 = vector.broadcast %jit3A_378 : f32 to vector<64x512xf32>
    %select_n3A_381 = arith.select %eq3A_376, %broadcast_in_dim3A_379, %broadcast_in_dim3A_380 : vector<64x512xi1>, vector<64x512xf32>
    %slice3A_382 = vector.extract_strided_slice %concatenate3A {offsets = [0, 512], sizes = [512, 64], strides = [1, 1]} : vector<512x768xf32> to vector<512x64xf32>
    %dot_general3A_383 = arith.constant dense<0.000000e+00> : vector<64x64xf32>
    %dot_general3A_384 = tpu.matmul %select_n3A_381, %slice3A_382, %dot_general3A_383 {dimension_numbers = #tpu.dot_dimension_numbers<[1], [0], [0], [1], [0, 0, 1, 1], [], []>, precision = #tpu.contract_precision<fp32>, transpose_lhs_hint = false} : vector<64x512xf32>, vector<512x64xf32>, vector<64x64xf32> -> vector<64x64xf32>
    %slice3A_385 = vector.extract_strided_slice %convert_element_type3A {offsets = [9, 0], sizes = [1, 64], strides = [1, 1]} : vector<12x64xf32> to vector<1x64xf32>
    %transpose3A_386 = tpu.transpose %slice3A_385, [1, 0] : vector<1x64xf32> -> vector<64x1xf32>
    %lt3A_387 = vector.broadcast %slice3A_385 : vector<1x64xf32> to vector<64x64xf32>
    %lt3A_388 = vector.broadcast %transpose3A_386 : vector<64x1xf32> to vector<64x64xf32>
    %lt3A_389 = arith.cmpf olt, %lt3A_387, %lt3A_388 : vector<64x64xf32>
    %jit3A_390 = arith.constant 1.000000e+00 : f32
    %jit3A_391 = arith.constant 0.000000e+00 : f32
    %broadcast_in_dim3A_392 = vector.broadcast %jit3A_390 : f32 to vector<64x64xf32>
    %broadcast_in_dim3A_393 = vector.broadcast %jit3A_391 : f32 to vector<64x64xf32>
    %select_n3A_394 = arith.select %lt3A_389, %broadcast_in_dim3A_392, %broadcast_in_dim3A_393 : vector<64x64xi1>, vector<64x64xf32>
    %reduce_sum3A_395 = arith.constant dense<0.000000e+00> : vector<64xf32>
    %reduce_sum3A_396 = vector.multi_reduction <add>, %select_n3A_394, %reduce_sum3A_395 [1] : vector<64x64xf32> to vector<64xf32>
    %broadcast_in_dim3A_397 = vector.shape_cast %reduce_sum3A_396 : vector<64xf32> to vector<64x1xf32>
    %convert_element_type3A_398 = arith.fptosi %broadcast_in_dim3A_397 : vector<64x1xf32> to vector<64x1xi32>
    %eq3A_399 = vector.broadcast %convert_element_type3A_398 : vector<64x1xi32> to vector<64x64xi32>
    %eq3A_400 = arith.cmpi eq, %eq3A_399, %iota3A_86 : vector<64x64xi32>
    %jit3A_401 = arith.constant 1.000000e+00 : f32
    %jit3A_402 = arith.constant 0.000000e+00 : f32
    %broadcast_in_dim3A_403 = vector.broadcast %jit3A_401 : f32 to vector<64x64xf32>
    %broadcast_in_dim3A_404 = vector.broadcast %jit3A_402 : f32 to vector<64x64xf32>
    %select_n3A_405 = arith.select %eq3A_400, %broadcast_in_dim3A_403, %broadcast_in_dim3A_404 : vector<64x64xi1>, vector<64x64xf32>
    %dot_general3A_406 = arith.constant dense<0.000000e+00> : vector<64x1xf32>
    %dot_general3A_407 = tpu.matmul %select_n3A_405, %transpose3A_386, %dot_general3A_406 {dimension_numbers = #tpu.dot_dimension_numbers<[0], [0], [1], [1], [0, 1, 1, 1], [], []>, precision = #tpu.contract_precision<fp32>, transpose_lhs_hint = false} : vector<64x64xf32>, vector<64x1xf32>, vector<64x1xf32> -> vector<64x1xf32>
    %convert_element_type3A_408 = arith.fptosi %dot_general3A_407 : vector<64x1xf32> to vector<64x1xi32>
    %eq3A_409 = vector.broadcast %convert_element_type3A_408 : vector<64x1xi32> to vector<64x512xi32>
    %eq3A_410 = arith.cmpi eq, %eq3A_409, %iota3A : vector<64x512xi32>
    %jit3A_411 = arith.constant 1.000000e+00 : f32
    %jit3A_412 = arith.constant 0.000000e+00 : f32
    %broadcast_in_dim3A_413 = vector.broadcast %jit3A_411 : f32 to vector<64x512xf32>
    %broadcast_in_dim3A_414 = vector.broadcast %jit3A_412 : f32 to vector<64x512xf32>
    %select_n3A_415 = arith.select %eq3A_410, %broadcast_in_dim3A_413, %broadcast_in_dim3A_414 : vector<64x512xi1>, vector<64x512xf32>
    %slice3A_416 = vector.extract_strided_slice %concatenate3A {offsets = [0, 576], sizes = [512, 64], strides = [1, 1]} : vector<512x768xf32> to vector<512x64xf32>
    %dot_general3A_417 = arith.constant dense<0.000000e+00> : vector<64x64xf32>
    %dot_general3A_418 = tpu.matmul %select_n3A_415, %slice3A_416, %dot_general3A_417 {dimension_numbers = #tpu.dot_dimension_numbers<[1], [0], [0], [1], [0, 0, 1, 1], [], []>, precision = #tpu.contract_precision<fp32>, transpose_lhs_hint = false} : vector<64x512xf32>, vector<512x64xf32>, vector<64x64xf32> -> vector<64x64xf32>
    %slice3A_419 = vector.extract_strided_slice %convert_element_type3A {offsets = [10, 0], sizes = [1, 64], strides = [1, 1]} : vector<12x64xf32> to vector<1x64xf32>
    %transpose3A_420 = tpu.transpose %slice3A_419, [1, 0] : vector<1x64xf32> -> vector<64x1xf32>
    %lt3A_421 = vector.broadcast %slice3A_419 : vector<1x64xf32> to vector<64x64xf32>
    %lt3A_422 = vector.broadcast %transpose3A_420 : vector<64x1xf32> to vector<64x64xf32>
    %lt3A_423 = arith.cmpf olt, %lt3A_421, %lt3A_422 : vector<64x64xf32>
    %jit3A_424 = arith.constant 1.000000e+00 : f32
    %jit3A_425 = arith.constant 0.000000e+00 : f32
    %broadcast_in_dim3A_426 = vector.broadcast %jit3A_424 : f32 to vector<64x64xf32>
    %broadcast_in_dim3A_427 = vector.broadcast %jit3A_425 : f32 to vector<64x64xf32>
    %select_n3A_428 = arith.select %lt3A_423, %broadcast_in_dim3A_426, %broadcast_in_dim3A_427 : vector<64x64xi1>, vector<64x64xf32>
    %reduce_sum3A_429 = arith.constant dense<0.000000e+00> : vector<64xf32>
    %reduce_sum3A_430 = vector.multi_reduction <add>, %select_n3A_428, %reduce_sum3A_429 [1] : vector<64x64xf32> to vector<64xf32>
    %broadcast_in_dim3A_431 = vector.shape_cast %reduce_sum3A_430 : vector<64xf32> to vector<64x1xf32>
    %convert_element_type3A_432 = arith.fptosi %broadcast_in_dim3A_431 : vector<64x1xf32> to vector<64x1xi32>
    %eq3A_433 = vector.broadcast %convert_element_type3A_432 : vector<64x1xi32> to vector<64x64xi32>
    %eq3A_434 = arith.cmpi eq, %eq3A_433, %iota3A_86 : vector<64x64xi32>
    %jit3A_435 = arith.constant 1.000000e+00 : f32
    %jit3A_436 = arith.constant 0.000000e+00 : f32
    %broadcast_in_dim3A_437 = vector.broadcast %jit3A_435 : f32 to vector<64x64xf32>
    %broadcast_in_dim3A_438 = vector.broadcast %jit3A_436 : f32 to vector<64x64xf32>
    %select_n3A_439 = arith.select %eq3A_434, %broadcast_in_dim3A_437, %broadcast_in_dim3A_438 : vector<64x64xi1>, vector<64x64xf32>
    %dot_general3A_440 = arith.constant dense<0.000000e+00> : vector<64x1xf32>
    %dot_general3A_441 = tpu.matmul %select_n3A_439, %transpose3A_420, %dot_general3A_440 {dimension_numbers = #tpu.dot_dimension_numbers<[0], [0], [1], [1], [0, 1, 1, 1], [], []>, precision = #tpu.contract_precision<fp32>, transpose_lhs_hint = false} : vector<64x64xf32>, vector<64x1xf32>, vector<64x1xf32> -> vector<64x1xf32>
    %convert_element_type3A_442 = arith.fptosi %dot_general3A_441 : vector<64x1xf32> to vector<64x1xi32>
    %eq3A_443 = vector.broadcast %convert_element_type3A_442 : vector<64x1xi32> to vector<64x512xi32>
    %eq3A_444 = arith.cmpi eq, %eq3A_443, %iota3A : vector<64x512xi32>
    %jit3A_445 = arith.constant 1.000000e+00 : f32
    %jit3A_446 = arith.constant 0.000000e+00 : f32
    %broadcast_in_dim3A_447 = vector.broadcast %jit3A_445 : f32 to vector<64x512xf32>
    %broadcast_in_dim3A_448 = vector.broadcast %jit3A_446 : f32 to vector<64x512xf32>
    %select_n3A_449 = arith.select %eq3A_444, %broadcast_in_dim3A_447, %broadcast_in_dim3A_448 : vector<64x512xi1>, vector<64x512xf32>
    %slice3A_450 = vector.extract_strided_slice %concatenate3A {offsets = [0, 640], sizes = [512, 64], strides = [1, 1]} : vector<512x768xf32> to vector<512x64xf32>
    %dot_general3A_451 = arith.constant dense<0.000000e+00> : vector<64x64xf32>
    %dot_general3A_452 = tpu.matmul %select_n3A_449, %slice3A_450, %dot_general3A_451 {dimension_numbers = #tpu.dot_dimension_numbers<[1], [0], [0], [1], [0, 0, 1, 1], [], []>, precision = #tpu.contract_precision<fp32>, transpose_lhs_hint = false} : vector<64x512xf32>, vector<512x64xf32>, vector<64x64xf32> -> vector<64x64xf32>
    %slice3A_453 = vector.extract_strided_slice %convert_element_type3A {offsets = [11, 0], sizes = [1, 64], strides = [1, 1]} : vector<12x64xf32> to vector<1x64xf32>
    %transpose3A_454 = tpu.transpose %slice3A_453, [1, 0] : vector<1x64xf32> -> vector<64x1xf32>
    %lt3A_455 = vector.broadcast %slice3A_453 : vector<1x64xf32> to vector<64x64xf32>
    %lt3A_456 = vector.broadcast %transpose3A_454 : vector<64x1xf32> to vector<64x64xf32>
    %lt3A_457 = arith.cmpf olt, %lt3A_455, %lt3A_456 : vector<64x64xf32>
    %jit3A_458 = arith.constant 1.000000e+00 : f32
    %jit3A_459 = arith.constant 0.000000e+00 : f32
    %broadcast_in_dim3A_460 = vector.broadcast %jit3A_458 : f32 to vector<64x64xf32>
    %broadcast_in_dim3A_461 = vector.broadcast %jit3A_459 : f32 to vector<64x64xf32>
    %select_n3A_462 = arith.select %lt3A_457, %broadcast_in_dim3A_460, %broadcast_in_dim3A_461 : vector<64x64xi1>, vector<64x64xf32>
    %reduce_sum3A_463 = arith.constant dense<0.000000e+00> : vector<64xf32>
    %reduce_sum3A_464 = vector.multi_reduction <add>, %select_n3A_462, %reduce_sum3A_463 [1] : vector<64x64xf32> to vector<64xf32>
    %broadcast_in_dim3A_465 = vector.shape_cast %reduce_sum3A_464 : vector<64xf32> to vector<64x1xf32>
    %convert_element_type3A_466 = arith.fptosi %broadcast_in_dim3A_465 : vector<64x1xf32> to vector<64x1xi32>
    %eq3A_467 = vector.broadcast %convert_element_type3A_466 : vector<64x1xi32> to vector<64x64xi32>
    %eq3A_468 = arith.cmpi eq, %eq3A_467, %iota3A_86 : vector<64x64xi32>
    %jit3A_469 = arith.constant 1.000000e+00 : f32
    %jit3A_470 = arith.constant 0.000000e+00 : f32
    %broadcast_in_dim3A_471 = vector.broadcast %jit3A_469 : f32 to vector<64x64xf32>
    %broadcast_in_dim3A_472 = vector.broadcast %jit3A_470 : f32 to vector<64x64xf32>
    %select_n3A_473 = arith.select %eq3A_468, %broadcast_in_dim3A_471, %broadcast_in_dim3A_472 : vector<64x64xi1>, vector<64x64xf32>
    %dot_general3A_474 = arith.constant dense<0.000000e+00> : vector<64x1xf32>
    %dot_general3A_475 = tpu.matmul %select_n3A_473, %transpose3A_454, %dot_general3A_474 {dimension_numbers = #tpu.dot_dimension_numbers<[0], [0], [1], [1], [0, 1, 1, 1], [], []>, precision = #tpu.contract_precision<fp32>, transpose_lhs_hint = false} : vector<64x64xf32>, vector<64x1xf32>, vector<64x1xf32> -> vector<64x1xf32>
    %convert_element_type3A_476 = arith.fptosi %dot_general3A_475 : vector<64x1xf32> to vector<64x1xi32>
    %eq3A_477 = vector.broadcast %convert_element_type3A_476 : vector<64x1xi32> to vector<64x512xi32>
    %eq3A_478 = arith.cmpi eq, %eq3A_477, %iota3A : vector<64x512xi32>
    %jit3A_479 = arith.constant 1.000000e+00 : f32
    %jit3A_480 = arith.constant 0.000000e+00 : f32
    %broadcast_in_dim3A_481 = vector.broadcast %jit3A_479 : f32 to vector<64x512xf32>
    %broadcast_in_dim3A_482 = vector.broadcast %jit3A_480 : f32 to vector<64x512xf32>
    %select_n3A_483 = arith.select %eq3A_478, %broadcast_in_dim3A_481, %broadcast_in_dim3A_482 : vector<64x512xi1>, vector<64x512xf32>
    %slice3A_484 = vector.extract_strided_slice %concatenate3A {offsets = [0, 704], sizes = [512, 64], strides = [1, 1]} : vector<512x768xf32> to vector<512x64xf32>
    %dot_general3A_485 = arith.constant dense<0.000000e+00> : vector<64x64xf32>
    %dot_general3A_486 = tpu.matmul %select_n3A_483, %slice3A_484, %dot_general3A_485 {dimension_numbers = #tpu.dot_dimension_numbers<[1], [0], [0], [1], [0, 0, 1, 1], [], []>, precision = #tpu.contract_precision<fp32>, transpose_lhs_hint = false} : vector<64x512xf32>, vector<512x64xf32>, vector<64x64xf32> -> vector<64x64xf32>
    %get3A_487 = arith.constant 0 : index
    %get3A_488 = arith.constant 0 : index
    %get3A_489 = vector.load %arg5[%get3A_487, %get3A_488] : memref<1x64xf32, #tpu.memory_space<vmem>>, vector<1x64xf32>
    %get3A_490 = arith.constant 0 : index
    %get3A_491 = arith.constant 0 : index
    %get3A_492 = vector.load %arg6[%get3A_490, %get3A_491] : memref<64x64xf32, #tpu.memory_space<vmem>>, vector<64x64xf32>
    %dot_general3A_493 = arith.constant dense<0.000000e+00> : vector<64x64xf32>
    %dot_general3A_494 = tpu.matmul %dot_general3A_112, %get3A_7, %dot_general3A_493 {dimension_numbers = #tpu.dot_dimension_numbers<[1], [1], [0], [0], [0, 0, 1, 0], [], []>, precision = #tpu.contract_precision<fp32>, transpose_lhs_hint = false} : vector<64x64xf32>, vector<64x64xf32>, vector<64x64xf32> -> vector<64x64xf32>
    %add3A = arith.addf %dot_general3A_248, %dot_general3A_494 : vector<64x64xf32>
    %dot_general3A_495 = arith.constant dense<0.000000e+00> : vector<64x1xf32>
    %dot_general3A_496 = tpu.matmul %add3A, %get3A_489, %dot_general3A_495 {dimension_numbers = #tpu.dot_dimension_numbers<[1], [1], [0], [0], [0, 0, 1, 0], [], []>, precision = #tpu.contract_precision<fp32>, transpose_lhs_hint = false} : vector<64x64xf32>, vector<1x64xf32>, vector<64x1xf32> -> vector<64x1xf32>
    %neg3A = arith.constant 0.000000e+00 : f32
    %neg3A_497 = vector.broadcast %neg3A : f32 to vector<64x1xf32>
    %neg3A_498 = arith.subf %neg3A_497, %dot_general3A_496 : vector<64x1xf32>
    %reduce_max3A = arith.constant dense<0xFF800000> : vector<1xf32>
    %reduce_max3A_499 = vector.multi_reduction <maximumf>, %neg3A_498, %reduce_max3A [0] : vector<64x1xf32> to vector<1xf32>
    %broadcast_in_dim3A_500 = vector.shape_cast %reduce_max3A_499 : vector<1xf32> to vector<1x1xf32>
    %sub3A = vector.broadcast %broadcast_in_dim3A_500 : vector<1x1xf32> to vector<64x1xf32>
    %sub3A_501 = arith.subf %neg3A_498, %sub3A : vector<64x1xf32>
    %exp3A = math.exp %sub3A_501 : vector<64x1xf32>
    %reduce_sum3A_502 = arith.constant dense<0.000000e+00> : vector<1xf32>
    %reduce_sum3A_503 = vector.multi_reduction <add>, %exp3A, %reduce_sum3A_502 [0] : vector<64x1xf32> to vector<1xf32>
    %broadcast_in_dim3A_504 = vector.shape_cast %reduce_sum3A_503 : vector<1xf32> to vector<1x1xf32>
    %div3A = vector.broadcast %broadcast_in_dim3A_504 : vector<1x1xf32> to vector<64x1xf32>
    %div3A_505 = arith.divf %exp3A, %div3A : vector<64x1xf32>
    %get3A_506 = arith.constant 0 : index
    %get3A_507 = arith.constant 0 : index
    %get3A_508 = arith.constant 0 : index
    %get3A_509 = vector.load %arg0[%get3A_506, %get3A_507, %get3A_508] : memref<4x512x64xf32, #tpu.memory_space<vmem>>, vector<1x512x64xf32>
    %get3A_510 = vector.shape_cast %get3A_509 : vector<1x512x64xf32> to vector<512x64xf32>
    %reduce_sum3A_511 = arith.constant dense<0.000000e+00> : vector<64xf32>
    %reduce_sum3A_512 = vector.multi_reduction <add>, %get3A_510, %reduce_sum3A_511 [0] : vector<512x64xf32> to vector<64xf32>
    %broadcast_in_dim3A_513 = vector.shape_cast %reduce_sum3A_512 : vector<64xf32> to vector<1x64xf32>
    %dot_general3A_514 = arith.constant dense<0.000000e+00> : vector<1x64xf32>
    %dot_general3A_515 = tpu.matmul %broadcast_in_dim3A_513, %get3A_7, %dot_general3A_514 {dimension_numbers = #tpu.dot_dimension_numbers<[1], [1], [0], [0], [0, 0, 1, 0], [], []>, precision = #tpu.contract_precision<fp32>, transpose_lhs_hint = false} : vector<1x64xf32>, vector<64x64xf32>, vector<1x64xf32> -> vector<1x64xf32>
    %sub3A_516 = arith.subf %dot_general3A_384, %dot_general3A_494 : vector<64x64xf32>
    %dot_general3A_517 = arith.constant dense<0.000000e+00> : vector<1x64xf32>
    %dot_general3A_518 = tpu.matmul %div3A_505, %sub3A_516, %dot_general3A_517 {dimension_numbers = #tpu.dot_dimension_numbers<[0], [0], [1], [1], [0, 1, 1, 1], [], []>, precision = #tpu.contract_precision<fp32>, transpose_lhs_hint = false} : vector<64x1xf32>, vector<64x64xf32>, vector<1x64xf32> -> vector<1x64xf32>
    %mul3A = arith.constant 5.120000e+02 : f32
    %mul3A_519 = vector.broadcast %mul3A : f32 to vector<1x64xf32>
    %mul3A_520 = arith.mulf %mul3A_519, %dot_general3A_518 : vector<1x64xf32>
    %add3A_521 = arith.addf %dot_general3A_515, %mul3A_520 : vector<1x64xf32>
    %dot_general3A_522 = arith.constant dense<0.000000e+00> : vector<1x64xf32>
    %dot_general3A_523 = tpu.matmul %add3A_521, %get3A_492, %dot_general3A_522 {dimension_numbers = #tpu.dot_dimension_numbers<[1], [1], [0], [0], [0, 0, 1, 0], [], []>, precision = #tpu.contract_precision<fp32>, transpose_lhs_hint = false} : vector<1x64xf32>, vector<64x64xf32>, vector<1x64xf32> -> vector<1x64xf32>
    %broadcast_in_dim3A_524 = vector.shape_cast %dot_general3A_523 : vector<1x64xf32> to vector<1x64xf32>
    %broadcast_in_dim3A_525 = vector.broadcast %broadcast_in_dim3A_524 : vector<1x64xf32> to vector<512x64xf32>
    %swap3A = arith.constant 0 : index
    %swap3A_526 = arith.constant 0 : index
    %swap3A_527 = arith.constant 0 : index
    %swap3A_528 = vector.load %arg7[%swap3A, %swap3A_526, %swap3A_527] : memref<4x512x64xf32, #tpu.memory_space<vmem>>, vector<1x512x64xf32>
    %swap3A_529 = vector.shape_cast %swap3A_528 : vector<1x512x64xf32> to vector<512x64xf32>
    %swap3A_530 = vector.shape_cast %broadcast_in_dim3A_525 : vector<512x64xf32> to vector<1x512x64xf32>
    tpu.vector_store %arg7[%swap3A, %swap3A_526, %swap3A_527], %swap3A_530 {strides = array<i32>} : memref<4x512x64xf32, #tpu.memory_space<vmem>>, vector<1x512x64xf32>,
    %dot_general3A_531 = arith.constant dense<0.000000e+00> : vector<64x64xf32>
    %dot_general3A_532 = tpu.matmul %dot_general3A_146, %get3A_7, %dot_general3A_531 {dimension_numbers = #tpu.dot_dimension_numbers<[1], [1], [0], [0], [0, 0, 1, 0], [], []>, precision = #tpu.contract_precision<fp32>, transpose_lhs_hint = false} : vector<64x64xf32>, vector<64x64xf32>, vector<64x64xf32> -> vector<64x64xf32>
    %add3A_533 = arith.addf %dot_general3A_282, %dot_general3A_532 : vector<64x64xf32>
    %dot_general3A_534 = arith.constant dense<0.000000e+00> : vector<64x1xf32>
    %dot_general3A_535 = tpu.matmul %add3A_533, %get3A_489, %dot_general3A_534 {dimension_numbers = #tpu.dot_dimension_numbers<[1], [1], [0], [0], [0, 0, 1, 0], [], []>, precision = #tpu.contract_precision<fp32>, transpose_lhs_hint = false} : vector<64x64xf32>, vector<1x64xf32>, vector<64x1xf32> -> vector<64x1xf32>
    %neg3A_536 = arith.constant 0.000000e+00 : f32
    %neg3A_537 = vector.broadcast %neg3A_536 : f32 to vector<64x1xf32>
    %neg3A_538 = arith.subf %neg3A_537, %dot_general3A_535 : vector<64x1xf32>
    %reduce_max3A_539 = arith.constant dense<0xFF800000> : vector<1xf32>
    %reduce_max3A_540 = vector.multi_reduction <maximumf>, %neg3A_538, %reduce_max3A_539 [0] : vector<64x1xf32> to vector<1xf32>
    %broadcast_in_dim3A_541 = vector.shape_cast %reduce_max3A_540 : vector<1xf32> to vector<1x1xf32>
    %sub3A_542 = vector.broadcast %broadcast_in_dim3A_541 : vector<1x1xf32> to vector<64x1xf32>
    %sub3A_543 = arith.subf %neg3A_538, %sub3A_542 : vector<64x1xf32>
    %exp3A_544 = math.exp %sub3A_543 : vector<64x1xf32>
    %reduce_sum3A_545 = arith.constant dense<0.000000e+00> : vector<1xf32>
    %reduce_sum3A_546 = vector.multi_reduction <add>, %exp3A_544, %reduce_sum3A_545 [0] : vector<64x1xf32> to vector<1xf32>
    %broadcast_in_dim3A_547 = vector.shape_cast %reduce_sum3A_546 : vector<1xf32> to vector<1x1xf32>
    %div3A_548 = vector.broadcast %broadcast_in_dim3A_547 : vector<1x1xf32> to vector<64x1xf32>
    %div3A_549 = arith.divf %exp3A_544, %div3A_548 : vector<64x1xf32>
    %get3A_550 = arith.constant 1 : index
    %get3A_551 = arith.constant 0 : index
    %get3A_552 = arith.constant 0 : index
    %get3A_553 = vector.load %arg0[%get3A_550, %get3A_551, %get3A_552] : memref<4x512x64xf32, #tpu.memory_space<vmem>>, vector<1x512x64xf32>
    %get3A_554 = vector.shape_cast %get3A_553 : vector<1x512x64xf32> to vector<512x64xf32>
    %reduce_sum3A_555 = arith.constant dense<0.000000e+00> : vector<64xf32>
    %reduce_sum3A_556 = vector.multi_reduction <add>, %get3A_554, %reduce_sum3A_555 [0] : vector<512x64xf32> to vector<64xf32>
    %broadcast_in_dim3A_557 = vector.shape_cast %reduce_sum3A_556 : vector<64xf32> to vector<1x64xf32>
    %dot_general3A_558 = arith.constant dense<0.000000e+00> : vector<1x64xf32>
    %dot_general3A_559 = tpu.matmul %broadcast_in_dim3A_557, %get3A_7, %dot_general3A_558 {dimension_numbers = #tpu.dot_dimension_numbers<[1], [1], [0], [0], [0, 0, 1, 0], [], []>, precision = #tpu.contract_precision<fp32>, transpose_lhs_hint = false} : vector<1x64xf32>, vector<64x64xf32>, vector<1x64xf32> -> vector<1x64xf32>
    %sub3A_560 = arith.subf %dot_general3A_418, %dot_general3A_532 : vector<64x64xf32>
    %dot_general3A_561 = arith.constant dense<0.000000e+00> : vector<1x64xf32>
    %dot_general3A_562 = tpu.matmul %div3A_549, %sub3A_560, %dot_general3A_561 {dimension_numbers = #tpu.dot_dimension_numbers<[0], [0], [1], [1], [0, 1, 1, 1], [], []>, precision = #tpu.contract_precision<fp32>, transpose_lhs_hint = false} : vector<64x1xf32>, vector<64x64xf32>, vector<1x64xf32> -> vector<1x64xf32>
    %mul3A_563 = arith.constant 5.120000e+02 : f32
    %mul3A_564 = vector.broadcast %mul3A_563 : f32 to vector<1x64xf32>
    %mul3A_565 = arith.mulf %mul3A_564, %dot_general3A_562 : vector<1x64xf32>
    %add3A_566 = arith.addf %dot_general3A_559, %mul3A_565 : vector<1x64xf32>
    %dot_general3A_567 = arith.constant dense<0.000000e+00> : vector<1x64xf32>
    %dot_general3A_568 = tpu.matmul %add3A_566, %get3A_492, %dot_general3A_567 {dimension_numbers = #tpu.dot_dimension_numbers<[1], [1], [0], [0], [0, 0, 1, 0], [], []>, precision = #tpu.contract_precision<fp32>, transpose_lhs_hint = false} : vector<1x64xf32>, vector<64x64xf32>, vector<1x64xf32> -> vector<1x64xf32>
    %broadcast_in_dim3A_569 = vector.shape_cast %dot_general3A_568 : vector<1x64xf32> to vector<1x64xf32>
    %broadcast_in_dim3A_570 = vector.broadcast %broadcast_in_dim3A_569 : vector<1x64xf32> to vector<512x64xf32>
    %swap3A_571 = arith.constant 1 : index
    %swap3A_572 = arith.constant 0 : index
    %swap3A_573 = arith.constant 0 : index
    %swap3A_574 = vector.load %arg7[%swap3A_571, %swap3A_572, %swap3A_573] : memref<4x512x64xf32, #tpu.memory_space<vmem>>, vector<1x512x64xf32>
    %swap3A_575 = vector.shape_cast %swap3A_574 : vector<1x512x64xf32> to vector<512x64xf32>
    %swap3A_576 = vector.shape_cast %broadcast_in_dim3A_570 : vector<512x64xf32> to vector<1x512x64xf32>
    tpu.vector_store %arg7[%swap3A_571, %swap3A_572, %swap3A_573], %swap3A_576 {strides = array<i32>} : memref<4x512x64xf32, #tpu.memory_space<vmem>>, vector<1x512x64xf32>,
    %dot_general3A_577 = arith.constant dense<0.000000e+00> : vector<64x64xf32>
    %dot_general3A_578 = tpu.matmul %dot_general3A_180, %get3A_7, %dot_general3A_577 {dimension_numbers = #tpu.dot_dimension_numbers<[1], [1], [0], [0], [0, 0, 1, 0], [], []>, precision = #tpu.contract_precision<fp32>, transpose_lhs_hint = false} : vector<64x64xf32>, vector<64x64xf32>, vector<64x64xf32> -> vector<64x64xf32>
    %add3A_579 = arith.addf %dot_general3A_316, %dot_general3A_578 : vector<64x64xf32>
    %dot_general3A_580 = arith.constant dense<0.000000e+00> : vector<64x1xf32>
    %dot_general3A_581 = tpu.matmul %add3A_579, %get3A_489, %dot_general3A_580 {dimension_numbers = #tpu.dot_dimension_numbers<[1], [1], [0], [0], [0, 0, 1, 0], [], []>, precision = #tpu.contract_precision<fp32>, transpose_lhs_hint = false} : vector<64x64xf32>, vector<1x64xf32>, vector<64x1xf32> -> vector<64x1xf32>
    %neg3A_582 = arith.constant 0.000000e+00 : f32
    %neg3A_583 = vector.broadcast %neg3A_582 : f32 to vector<64x1xf32>
    %neg3A_584 = arith.subf %neg3A_583, %dot_general3A_581 : vector<64x1xf32>
    %reduce_max3A_585 = arith.constant dense<0xFF800000> : vector<1xf32>
    %reduce_max3A_586 = vector.multi_reduction <maximumf>, %neg3A_584, %reduce_max3A_585 [0] : vector<64x1xf32> to vector<1xf32>
    %broadcast_in_dim3A_587 = vector.shape_cast %reduce_max3A_586 : vector<1xf32> to vector<1x1xf32>
    %sub3A_588 = vector.broadcast %broadcast_in_dim3A_587 : vector<1x1xf32> to vector<64x1xf32>
    %sub3A_589 = arith.subf %neg3A_584, %sub3A_588 : vector<64x1xf32>
    %exp3A_590 = math.exp %sub3A_589 : vector<64x1xf32>
    %reduce_sum3A_591 = arith.constant dense<0.000000e+00> : vector<1xf32>
    %reduce_sum3A_592 = vector.multi_reduction <add>, %exp3A_590, %reduce_sum3A_591 [0] : vector<64x1xf32> to vector<1xf32>
    %broadcast_in_dim3A_593 = vector.shape_cast %reduce_sum3A_592 : vector<1xf32> to vector<1x1xf32>
    %div3A_594 = vector.broadcast %broadcast_in_dim3A_593 : vector<1x1xf32> to vector<64x1xf32>
    %div3A_595 = arith.divf %exp3A_590, %div3A_594 : vector<64x1xf32>
    %get3A_596 = arith.constant 2 : index
    %get3A_597 = arith.constant 0 : index
    %get3A_598 = arith.constant 0 : index
    %get3A_599 = vector.load %arg0[%get3A_596, %get3A_597, %get3A_598] : memref<4x512x64xf32, #tpu.memory_space<vmem>>, vector<1x512x64xf32>
    %get3A_600 = vector.shape_cast %get3A_599 : vector<1x512x64xf32> to vector<512x64xf32>
    %reduce_sum3A_601 = arith.constant dense<0.000000e+00> : vector<64xf32>
    %reduce_sum3A_602 = vector.multi_reduction <add>, %get3A_600, %reduce_sum3A_601 [0] : vector<512x64xf32> to vector<64xf32>
    %broadcast_in_dim3A_603 = vector.shape_cast %reduce_sum3A_602 : vector<64xf32> to vector<1x64xf32>
    %dot_general3A_604 = arith.constant dense<0.000000e+00> : vector<1x64xf32>
    %dot_general3A_605 = tpu.matmul %broadcast_in_dim3A_603, %get3A_7, %dot_general3A_604 {dimension_numbers = #tpu.dot_dimension_numbers<[1], [1], [0], [0], [0, 0, 1, 0], [], []>, precision = #tpu.contract_precision<fp32>, transpose_lhs_hint = false} : vector<1x64xf32>, vector<64x64xf32>, vector<1x64xf32> -> vector<1x64xf32>
    %sub3A_606 = arith.subf %dot_general3A_452, %dot_general3A_578 : vector<64x64xf32>
    %dot_general3A_607 = arith.constant dense<0.000000e+00> : vector<1x64xf32>
    %dot_general3A_608 = tpu.matmul %div3A_595, %sub3A_606, %dot_general3A_607 {dimension_numbers = #tpu.dot_dimension_numbers<[0], [0], [1], [1], [0, 1, 1, 1], [], []>, precision = #tpu.contract_precision<fp32>, transpose_lhs_hint = false} : vector<64x1xf32>, vector<64x64xf32>, vector<1x64xf32> -> vector<1x64xf32>
    %mul3A_609 = arith.constant 5.120000e+02 : f32
    %mul3A_610 = vector.broadcast %mul3A_609 : f32 to vector<1x64xf32>
    %mul3A_611 = arith.mulf %mul3A_610, %dot_general3A_608 : vector<1x64xf32>
    %add3A_612 = arith.addf %dot_general3A_605, %mul3A_611 : vector<1x64xf32>
    %dot_general3A_613 = arith.constant dense<0.000000e+00> : vector<1x64xf32>
    %dot_general3A_614 = tpu.matmul %add3A_612, %get3A_492, %dot_general3A_613 {dimension_numbers = #tpu.dot_dimension_numbers<[1], [1], [0], [0], [0, 0, 1, 0], [], []>, precision = #tpu.contract_precision<fp32>, transpose_lhs_hint = false} : vector<1x64xf32>, vector<64x64xf32>, vector<1x64xf32> -> vector<1x64xf32>
    %broadcast_in_dim3A_615 = vector.shape_cast %dot_general3A_614 : vector<1x64xf32> to vector<1x64xf32>
    %broadcast_in_dim3A_616 = vector.broadcast %broadcast_in_dim3A_615 : vector<1x64xf32> to vector<512x64xf32>
    %swap3A_617 = arith.constant 2 : index
    %swap3A_618 = arith.constant 0 : index
    %swap3A_619 = arith.constant 0 : index
    %swap3A_620 = vector.load %arg7[%swap3A_617, %swap3A_618, %swap3A_619] : memref<4x512x64xf32, #tpu.memory_space<vmem>>, vector<1x512x64xf32>
    %swap3A_621 = vector.shape_cast %swap3A_620 : vector<1x512x64xf32> to vector<512x64xf32>
    %swap3A_622 = vector.shape_cast %broadcast_in_dim3A_616 : vector<512x64xf32> to vector<1x512x64xf32>
    tpu.vector_store %arg7[%swap3A_617, %swap3A_618, %swap3A_619], %swap3A_622 {strides = array<i32>} : memref<4x512x64xf32, #tpu.memory_space<vmem>>, vector<1x512x64xf32>,
    %dot_general3A_623 = arith.constant dense<0.000000e+00> : vector<64x64xf32>
    %dot_general3A_624 = tpu.matmul %dot_general3A_214, %get3A_7, %dot_general3A_623 {dimension_numbers = #tpu.dot_dimension_numbers<[1], [1], [0], [0], [0, 0, 1, 0], [], []>, precision = #tpu.contract_precision<fp32>, transpose_lhs_hint = false} : vector<64x64xf32>, vector<64x64xf32>, vector<64x64xf32> -> vector<64x64xf32>
    %add3A_625 = arith.addf %dot_general3A_350, %dot_general3A_624 : vector<64x64xf32>
    %dot_general3A_626 = arith.constant dense<0.000000e+00> : vector<64x1xf32>
    %dot_general3A_627 = tpu.matmul %add3A_625, %get3A_489, %dot_general3A_626 {dimension_numbers = #tpu.dot_dimension_numbers<[1], [1], [0], [0], [0, 0, 1, 0], [], []>, precision = #tpu.contract_precision<fp32>, transpose_lhs_hint = false} : vector<64x64xf32>, vector<1x64xf32>, vector<64x1xf32> -> vector<64x1xf32>
    %neg3A_628 = arith.constant 0.000000e+00 : f32
    %neg3A_629 = vector.broadcast %neg3A_628 : f32 to vector<64x1xf32>
    %neg3A_630 = arith.subf %neg3A_629, %dot_general3A_627 : vector<64x1xf32>
    %reduce_max3A_631 = arith.constant dense<0xFF800000> : vector<1xf32>
    %reduce_max3A_632 = vector.multi_reduction <maximumf>, %neg3A_630, %reduce_max3A_631 [0] : vector<64x1xf32> to vector<1xf32>
    %broadcast_in_dim3A_633 = vector.shape_cast %reduce_max3A_632 : vector<1xf32> to vector<1x1xf32>
    %sub3A_634 = vector.broadcast %broadcast_in_dim3A_633 : vector<1x1xf32> to vector<64x1xf32>
    %sub3A_635 = arith.subf %neg3A_630, %sub3A_634 : vector<64x1xf32>
    %exp3A_636 = math.exp %sub3A_635 : vector<64x1xf32>
    %reduce_sum3A_637 = arith.constant dense<0.000000e+00> : vector<1xf32>
    %reduce_sum3A_638 = vector.multi_reduction <add>, %exp3A_636, %reduce_sum3A_637 [0] : vector<64x1xf32> to vector<1xf32>
    %broadcast_in_dim3A_639 = vector.shape_cast %reduce_sum3A_638 : vector<1xf32> to vector<1x1xf32>
    %div3A_640 = vector.broadcast %broadcast_in_dim3A_639 : vector<1x1xf32> to vector<64x1xf32>
    %div3A_641 = arith.divf %exp3A_636, %div3A_640 : vector<64x1xf32>
    %get3A_642 = arith.constant 3 : index
    %get3A_643 = arith.constant 0 : index
    %get3A_644 = arith.constant 0 : index
    %get3A_645 = vector.load %arg0[%get3A_642, %get3A_643, %get3A_644] : memref<4x512x64xf32, #tpu.memory_space<vmem>>, vector<1x512x64xf32>
    %get3A_646 = vector.shape_cast %get3A_645 : vector<1x512x64xf32> to vector<512x64xf32>
    %reduce_sum3A_647 = arith.constant dense<0.000000e+00> : vector<64xf32>
    %reduce_sum3A_648 = vector.multi_reduction <add>, %get3A_646, %reduce_sum3A_647 [0] : vector<512x64xf32> to vector<64xf32>
    %broadcast_in_dim3A_649 = vector.shape_cast %reduce_sum3A_648 : vector<64xf32> to vector<1x64xf32>
    %dot_general3A_650 = arith.constant dense<0.000000e+00> : vector<1x64xf32>
    %dot_general3A_651 = tpu.matmul %broadcast_in_dim3A_649, %get3A_7, %dot_general3A_650 {dimension_numbers = #tpu.dot_dimension_numbers<[1], [1], [0], [0], [0, 0, 1, 0], [], []>, precision = #tpu.contract_precision<fp32>, transpose_lhs_hint = false} : vector<1x64xf32>, vector<64x64xf32>, vector<1x64xf32> -> vector<1x64xf32>
    %sub3A_652 = arith.subf %dot_general3A_486, %dot_general3A_624 : vector<64x64xf32>
    %dot_general3A_653 = arith.constant dense<0.000000e+00> : vector<1x64xf32>
    %dot_general3A_654 = tpu.matmul %div3A_641, %sub3A_652, %dot_general3A_653 {dimension_numbers = #tpu.dot_dimension_numbers<[0], [0], [1], [1], [0, 1, 1, 1], [], []>, precision = #tpu.contract_precision<fp32>, transpose_lhs_hint = false} : vector<64x1xf32>, vector<64x64xf32>, vector<1x64xf32> -> vector<1x64xf32>
    %mul3A_655 = arith.constant 5.120000e+02 : f32
    %mul3A_656 = vector.broadcast %mul3A_655 : f32 to vector<1x64xf32>
    %mul3A_657 = arith.mulf %mul3A_656, %dot_general3A_654 : vector<1x64xf32>
    %add3A_658 = arith.addf %dot_general3A_651, %mul3A_657 : vector<1x64xf32>
    %dot_general3A_659 = arith.constant dense<0.000000e+00> : vector<1x64xf32>
    %dot_general3A_660 = tpu.matmul %add3A_658, %get3A_492, %dot_general3A_659 {dimension_numbers = #tpu.dot_dimension_numbers<[1], [1], [0], [0], [0, 0, 1, 0], [], []>, precision = #tpu.contract_precision<fp32>, transpose_lhs_hint = false} : vector<1x64xf32>, vector<64x64xf32>, vector<1x64xf32> -> vector<1x64xf32>
    %broadcast_in_dim3A_661 = vector.shape_cast %dot_general3A_660 : vector<1x64xf32> to vector<1x64xf32>
    %broadcast_in_dim3A_662 = vector.broadcast %broadcast_in_dim3A_661 : vector<1x64xf32> to vector<512x64xf32>
    %swap3A_663 = arith.constant 3 : index
    %swap3A_664 = arith.constant 0 : index
    %swap3A_665 = arith.constant 0 : index
    %swap3A_666 = vector.load %arg7[%swap3A_663, %swap3A_664, %swap3A_665] : memref<4x512x64xf32, #tpu.memory_space<vmem>>, vector<1x512x64xf32>
    %swap3A_667 = vector.shape_cast %swap3A_666 : vector<1x512x64xf32> to vector<512x64xf32>
    %swap3A_668 = vector.shape_cast %broadcast_in_dim3A_662 : vector<512x64xf32> to vector<1x512x64xf32>
    tpu.vector_store %arg7[%swap3A_663, %swap3A_664, %swap3A_665], %swap3A_668 {strides = array<i32>} : memref<4x512x64xf32, #tpu.memory_space<vmem>>, vector<1x512x64xf32>,
    return
  }
}

module attributes {stable_mosaic.version = 14 : i64} {
  func.func @_dist_kernel(%arg0: i32, %arg1: memref<1x512x64xf32, #tpu.memory_space<vmem>>, %arg2: memref<64x64xf32, #tpu.memory_space<vmem>>, %arg3: memref<64x64xf32, #tpu.memory_space<vmem>>, %arg4: memref<1x512x512xf32, #tpu.memory_space<vmem>>, %arg5: memref<1x1x16xi32, #tpu.memory_space<vmem>>) attributes {dimension_semantics = [#tpu.dimension_semantics<arbitrary>], iteration_bounds = array<i64: 12>, scalar_prefetch = 0 : i64, scratch_operands = 0 : i64, tpu.core_type = #tpu.core_type<tc>, window_params = [{transform_indices = @transform_0, window_bounds = array<i64: 1, 512, 64>}, {pipeline_mode = #tpu.pipeline_mode<synchronous>, transform_indices = @transform_1, window_bounds = array<i64: 64, 64>}, {pipeline_mode = #tpu.pipeline_mode<synchronous>, transform_indices = @transform_2, window_bounds = array<i64: 64, 64>}, {transform_indices = @transform_3, window_bounds = array<i64: 1, 512, 512>}, {transform_indices = @transform_4, window_bounds = array<i64: 1, 1, 16>}]} {
    %jit3A = arith.constant 4 : i32
    %div3A = arith.divsi %arg0, %jit3A : i32
    %sign3A = arith.constant 0 : i32
    %sign3A_0 = arith.cmpi sgt, %arg0, %sign3A : i32
    %sign3A_1 = arith.extui %sign3A_0 : i1 to i32
    %sign3A_2 = arith.constant 0 : i32
    %sign3A_3 = arith.cmpi slt, %arg0, %sign3A_2 : i32
    %sign3A_4 = arith.extui %sign3A_3 : i1 to i32
    %sign3A_5 = arith.subi %sign3A_1, %sign3A_4 : i32
    %sign3A_6 = arith.constant 0 : i32
    %sign3A_7 = arith.cmpi sgt, %jit3A, %sign3A_6 : i32
    %sign3A_8 = arith.extui %sign3A_7 : i1 to i32
    %sign3A_9 = arith.constant 0 : i32
    %sign3A_10 = arith.cmpi slt, %jit3A, %sign3A_9 : i32
    %sign3A_11 = arith.extui %sign3A_10 : i1 to i32
    %sign3A_12 = arith.subi %sign3A_8, %sign3A_11 : i32
    %ne3A = arith.cmpi ne, %sign3A_5, %sign3A_12 : i32
    %rem3A = arith.remsi %arg0, %jit3A : i32
    %ne3A_13 = arith.constant 0 : i32
    %ne3A_14 = arith.cmpi ne, %rem3A, %ne3A_13 : i32
    %and3A = arith.andi %ne3A, %ne3A_14 : i1
    %sub3A = arith.constant 1 : i32
    %sub3A_15 = arith.subi %div3A, %sub3A : i32
    %select_n3A = arith.select %and3A, %sub3A_15, %div3A : i32
    %get3A = arith.constant 0 : index
    %get3A_16 = arith.constant 0 : index
    %get3A_17 = arith.constant 0 : index
    %get3A_18 = vector.load %arg1[%get3A, %get3A_16, %get3A_17] : memref<1x512x64xf32, #tpu.memory_space<vmem>>, vector<1x512x64xf32>
    %get3A_19 = vector.shape_cast %get3A_18 : vector<1x512x64xf32> to vector<512x64xf32>
    %get3A_20 = arith.constant 0 : index
    %get3A_21 = arith.constant 0 : index
    %get3A_22 = vector.load %arg2[%get3A_20, %get3A_21] : memref<64x64xf32, #tpu.memory_space<vmem>>, vector<64x64xf32>
    %dot_general3A = arith.constant dense<0.000000e+00> : vector<512x64xf32>
    %dot_general3A_23 = tpu.matmul %get3A_19, %get3A_22, %dot_general3A {dimension_numbers = #tpu.dot_dimension_numbers<[1], [1], [0], [0], [0, 0, 1, 0], [], []>, transpose_lhs_hint = false} : vector<512x64xf32>, vector<64x64xf32>, vector<512x64xf32> -> vector<512x64xf32>
    %get3A_24 = arith.constant 0 : index
    %get3A_25 = arith.constant 0 : index
    %get3A_26 = vector.load %arg3[%get3A_24, %get3A_25] : memref<64x64xf32, #tpu.memory_space<vmem>>, vector<64x64xf32>
    %dot_general3A_27 = arith.constant dense<0.000000e+00> : vector<512x64xf32>
    %dot_general3A_28 = tpu.matmul %get3A_19, %get3A_26, %dot_general3A_27 {dimension_numbers = #tpu.dot_dimension_numbers<[1], [1], [0], [0], [0, 0, 1, 0], [], []>, transpose_lhs_hint = false} : vector<512x64xf32>, vector<64x64xf32>, vector<512x64xf32> -> vector<512x64xf32>
    %eq3A = arith.constant 0 : i32
    %eq3A_29 = arith.cmpi eq, %select_n3A, %eq3A : i32
    %jit3A_30 = arith.constant 1.000000e+00 : f32
    %jit3A_31 = arith.constant 0.000000e+00 : f32
    %select_n3A_32 = arith.select %eq3A_29, %jit3A_30, %jit3A_31 : f32
    %eq3A_33 = arith.constant 1 : i32
    %eq3A_34 = arith.cmpi eq, %select_n3A, %eq3A_33 : i32
    %jit3A_35 = arith.constant 1.000000e+00 : f32
    %jit3A_36 = arith.constant 0.000000e+00 : f32
    %select_n3A_37 = arith.select %eq3A_34, %jit3A_35, %jit3A_36 : f32
    %eq3A_38 = arith.constant 2 : i32
    %eq3A_39 = arith.cmpi eq, %select_n3A, %eq3A_38 : i32
    %jit3A_40 = arith.constant 1.000000e+00 : f32
    %jit3A_41 = arith.constant 0.000000e+00 : f32
    %select_n3A_42 = arith.select %eq3A_39, %jit3A_40, %jit3A_41 : f32
    %mul3A = vector.broadcast %select_n3A_32 : f32 to vector<512x64xf32>
    %mul3A_43 = arith.mulf %get3A_19, %mul3A : vector<512x64xf32>
    %mul3A_44 = vector.broadcast %select_n3A_37 : f32 to vector<512x64xf32>
    %mul3A_45 = arith.mulf %dot_general3A_23, %mul3A_44 : vector<512x64xf32>
    %add3A = arith.addf %mul3A_43, %mul3A_45 : vector<512x64xf32>
    %mul3A_46 = vector.broadcast %select_n3A_42 : f32 to vector<512x64xf32>
    %mul3A_47 = arith.mulf %dot_general3A_28, %mul3A_46 : vector<512x64xf32>
    %add3A_48 = arith.addf %add3A, %mul3A_47 : vector<512x64xf32>
    %mul3A_49 = arith.mulf %add3A_48, %add3A_48 : vector<512x64xf32>
    %reduce_sum3A = arith.constant dense<0.000000e+00> : vector<512xf32>
    %reduce_sum3A_50 = vector.multi_reduction <add>, %mul3A_49, %reduce_sum3A [1] : vector<512x64xf32> to vector<512xf32>
    %broadcast_in_dim3A = vector.shape_cast %reduce_sum3A_50 : vector<512xf32> to vector<512x1xf32>
    %transpose3A = tpu.transpose %broadcast_in_dim3A, [1, 0] : vector<512x1xf32> -> vector<1x512xf32>
    %dot_general3A_51 = arith.constant dense<0.000000e+00> : vector<512x512xf32>
    %dot_general3A_52 = tpu.matmul %add3A_48, %add3A_48, %dot_general3A_51 {dimension_numbers = #tpu.dot_dimension_numbers<[1], [1], [0], [0], [0, 0, 1, 0], [], []>, precision = #tpu.contract_precision<fp32>, transpose_lhs_hint = false} : vector<512x64xf32>, vector<512x64xf32>, vector<512x512xf32> -> vector<512x512xf32>
    %add3A_53 = vector.broadcast %broadcast_in_dim3A : vector<512x1xf32> to vector<512x512xf32>
    %add3A_54 = vector.broadcast %transpose3A : vector<1x512xf32> to vector<512x512xf32>
    %add3A_55 = arith.addf %add3A_53, %add3A_54 : vector<512x512xf32>
    %mul3A_56 = arith.constant 2.000000e+00 : f32
    %mul3A_57 = vector.broadcast %mul3A_56 : f32 to vector<512x512xf32>
    %mul3A_58 = arith.mulf %mul3A_57, %dot_general3A_52 : vector<512x512xf32>
    %sub3A_59 = arith.subf %add3A_55, %mul3A_58 : vector<512x512xf32>
    %swap3A = arith.constant 0 : index
    %swap3A_60 = arith.constant 0 : index
    %swap3A_61 = arith.constant 0 : index
    %swap3A_62 = vector.load %arg4[%swap3A, %swap3A_60, %swap3A_61] : memref<1x512x512xf32, #tpu.memory_space<vmem>>, vector<1x512x512xf32>
    %swap3A_63 = vector.shape_cast %swap3A_62 : vector<1x512x512xf32> to vector<512x512xf32>
    %swap3A_64 = vector.shape_cast %sub3A_59 : vector<512x512xf32> to vector<1x512x512xf32>
    tpu.vector_store %arg4[%swap3A, %swap3A_60, %swap3A_61], %swap3A_64 {strides = array<i32>} : memref<1x512x512xf32, #tpu.memory_space<vmem>>, vector<1x512x512xf32>,
    %reduce_sum3A_65 = arith.constant dense<0.000000e+00> : vector<64xf32>
    %reduce_sum3A_66 = vector.multi_reduction <add>, %add3A_48, %reduce_sum3A_65 [0] : vector<512x64xf32> to vector<64xf32>
    %broadcast_in_dim3A_67 = vector.shape_cast %reduce_sum3A_66 : vector<64xf32> to vector<1x64xf32>
    %div3A_68 = arith.constant 5.120000e+02 : f32
    %div3A_69 = vector.broadcast %div3A_68 : f32 to vector<1x64xf32>
    %div3A_70 = arith.divf %broadcast_in_dim3A_67, %div3A_69 : vector<1x64xf32>
    %mul3A_71 = arith.mulf %div3A_70, %div3A_70 : vector<1x64xf32>
    %reduce_sum3A_72 = arith.constant dense<0.000000e+00> : vector<1xf32>
    %reduce_sum3A_73 = vector.multi_reduction <add>, %mul3A_71, %reduce_sum3A_72 [1] : vector<1x64xf32> to vector<1xf32>
    %broadcast_in_dim3A_74 = vector.shape_cast %reduce_sum3A_73 : vector<1xf32> to vector<1x1xf32>
    %dot_general3A_75 = arith.constant dense<0.000000e+00> : vector<512x1xf32>
    %dot_general3A_76 = tpu.matmul %add3A_48, %div3A_70, %dot_general3A_75 {dimension_numbers = #tpu.dot_dimension_numbers<[1], [1], [0], [0], [0, 0, 1, 0], [], []>, precision = #tpu.contract_precision<fp32>, transpose_lhs_hint = false} : vector<512x64xf32>, vector<1x64xf32>, vector<512x1xf32> -> vector<512x1xf32>
    %mul3A_77 = arith.constant 2.000000e+00 : f32
    %mul3A_78 = vector.broadcast %mul3A_77 : f32 to vector<512x1xf32>
    %mul3A_79 = arith.mulf %mul3A_78, %dot_general3A_76 : vector<512x1xf32>
    %sub3A_80 = arith.subf %broadcast_in_dim3A, %mul3A_79 : vector<512x1xf32>
    %add3A_81 = vector.broadcast %broadcast_in_dim3A_74 : vector<1x1xf32> to vector<512x1xf32>
    %add3A_82 = arith.addf %sub3A_80, %add3A_81 : vector<512x1xf32>
    %reduce_max3A = arith.constant dense<0xFF800000> : vector<1xf32>
    %reduce_max3A_83 = vector.multi_reduction <maximumf>, %add3A_82, %reduce_max3A [0] : vector<512x1xf32> to vector<1xf32>
    %broadcast_in_dim3A_84 = vector.shape_cast %reduce_max3A_83 : vector<1xf32> to vector<1x1xf32>
    %iota3A = tpu.iota {dimensions = array<i32: 0>} : vector<512x1xi32>
    %eq3A_85 = vector.broadcast %broadcast_in_dim3A_84 : vector<1x1xf32> to vector<512x1xf32>
    %eq3A_86 = arith.cmpf oeq, %add3A_82, %eq3A_85 : vector<512x1xf32>
    %jit3A_87 = arith.constant 1073741824 : i32
    %broadcast_in_dim3A_88 = vector.broadcast %jit3A_87 : i32 to vector<512x1xi32>
    %select_n3A_89 = arith.select %eq3A_86, %iota3A, %broadcast_in_dim3A_88 : vector<512x1xi1>, vector<512x1xi32>
    %reduce_min3A = arith.constant dense<2147483647> : vector<1xi32>
    %reduce_min3A_90 = vector.multi_reduction <minsi>, %select_n3A_89, %reduce_min3A [0] : vector<512x1xi32> to vector<1xi32>
    %broadcast_in_dim3A_91 = vector.shape_cast %reduce_min3A_90 : vector<1xi32> to vector<1x1xi32>
    %broadcast_in_dim3A_92 = vector.shape_cast %broadcast_in_dim3A_91 : vector<1x1xi32> to vector<1x1x1xi32>
    %broadcast_in_dim3A_93 = vector.shape_cast %broadcast_in_dim3A_92 : vector<1x1x1xi32> to vector<1x1x1xi32>
    %broadcast_in_dim3A_94 = vector.broadcast %broadcast_in_dim3A_93 : vector<1x1x1xi32> to vector<1x1x16xi32>
    %swap3A_95 = arith.constant 0 : index
    %swap3A_96 = arith.constant 0 : index
    %swap3A_97 = arith.constant 0 : index
    %swap3A_98 = vector.load %arg5[%swap3A_95, %swap3A_96, %swap3A_97] : memref<1x1x16xi32, #tpu.memory_space<vmem>>, vector<1x1x16xi32>
    tpu.vector_store %arg5[%swap3A_95, %swap3A_96, %swap3A_97], %broadcast_in_dim3A_94 {strides = array<i32>} : memref<1x1x16xi32, #tpu.memory_space<vmem>>, vector<1x1x16xi32>,
    return
  }
  func.func @transform_0(%arg0: i32) -> (i32, i32, i32) {
    %jit3A = arith.constant 4 : i32
    %eq3A = arith.constant 0 : i32
    %eq3A_0 = arith.cmpi eq, %jit3A, %eq3A : i32
    %jit3A_1 = arith.constant 1 : i32
    %select_n3A = arith.select %eq3A_0, %jit3A_1, %jit3A : i32
    %rem3A = arith.remsi %arg0, %select_n3A : i32
    %ne3A = arith.constant 0 : i32
    %ne3A_2 = arith.cmpi ne, %rem3A, %ne3A : i32
    %lt3A = arith.constant 0 : i32
    %lt3A_3 = arith.cmpi slt, %rem3A, %lt3A : i32
    %lt3A_4 = arith.constant 0 : i32
    %lt3A_5 = arith.cmpi slt, %select_n3A, %lt3A_4 : i32
    %ne3A_6 = arith.xori %lt3A_3, %lt3A_5 : i1
    %and3A = arith.andi %ne3A_6, %ne3A_2 : i1
    %add3A = arith.addi %rem3A, %select_n3A : i32
    %select_n3A_7 = arith.select %and3A, %add3A, %rem3A : i32
    %c0_i32 = arith.constant 0 : i32
    %c0_i32_8 = arith.constant 0 : i32
    %c0_i32_9 = arith.constant 0 : i32
    return %select_n3A_7, %c0_i32, %c0_i32_8 : i32, i32, i32
  }
  func.func @transform_1(%arg0: i32) -> (i32, i32) {
    %c0_i32 = arith.constant 0 : i32
    %c0_i32_0 = arith.constant 0 : i32
    %c0_i32_1 = arith.constant 0 : i32
    return %c0_i32, %c0_i32_0 : i32, i32
  }
  func.func @transform_2(%arg0: i32) -> (i32, i32) {
    %c0_i32 = arith.constant 0 : i32
    %c0_i32_0 = arith.constant 0 : i32
    %c0_i32_1 = arith.constant 0 : i32
    return %c0_i32, %c0_i32_0 : i32, i32
  }
  func.func @transform_3(%arg0: i32) -> (i32, i32, i32) {
    %c0_i32 = arith.constant 0 : i32
    %c0_i32_0 = arith.constant 0 : i32
    %c0_i32_1 = arith.constant 0 : i32
    return %arg0, %c0_i32, %c0_i32_0 : i32, i32, i32
  }
  func.func @transform_4(%arg0: i32) -> (i32, i32, i32) {
    %c0_i32 = arith.constant 0 : i32
    %c0_i32_0 = arith.constant 0 : i32
    %c0_i32_1 = arith.constant 0 : i32
    return %arg0, %c0_i32, %c0_i32_0 : i32, i32, i32
  }
}

</mosaic_0001>

<sc_bundles>
// kernel: kernel.5.cloned.1.call-start
scs
__scs_entry_jumppad:
0x0: {  	(pc) =	sbr.rel $0x88, $3  }
0x1: {  	(tag) =	ssettag $0x0;
	lr =	simm.s32 $0x1  }
0x2: {  	[smem:$0x3F9B] =	sst lr;
	_ =	strace $0xD0000000  }
0x3: {  	_ = 	snop  }
0x4: {  	_ = 	snop  }
0x5: {  	_ = 	snop  }
0x6: {  	_ = 	snop  }
0x7: {  	_ = 	snop  }
__scs_overlays_trampoline_lowered:
0x8: {  	[smem:$0x3FAA] =	sst s0  }
0x9: {  	[smem:$0x3FAB] =	sst s1  }
0xa: {  	[smem:$0x3FAC] =	sst s2  }
0xb: {  	[smem:$0x3FAD] =	sst s3  }
0xc: {  	[smem:$0x3FAE] =	sst s4  }
0xd: {  	[smem:$0x3FAF] =	sst s5  }
0xe: {  	[smem:$0x3FB0] =	sst s6  }
0xf: {  	[smem:$0x3FB1] =	sst s7  }
0x10: {  	[smem:$0x3FB2] =	sst s8  }
0x11: {  	[smem:$0x3FB3] =	sst s9;
	s0 =	simm.s32 @!p0 $0x0  }
0x12: {  	s1 =	sld [smem:$0x3F99];
	s0 =	simm.s32 @p0 $0x1  }
0x13: {  	[smem:$0x3FB4] =	sst s0;
	s0 =	simm.s32 @!p1 $0x0  }
0x14: {  	s2 =	sld [smem:$0x3F98];
	s0 =	simm.s32 @p1 $0x1  }
0x15: {  	[smem:$0x3FB5] =	sst s0;
	s0 =	simm.s32 @!p2 $0x0  }
0x16: {  	s3 =	sld [smem:$0x3FDB];
	s0 =	simm.s32 @p2 $0x1  }
0x17: {  	s4 =	simm.s32 $0x1BF5;
	[smem:$0x3FB7] =	sst s0  }
0x18: {  	s0 =	sld [smem:$0x3F9A];
	_ =	swait.ge [sflag:s4], $0x0  }
0x19: {  	s7 =	sld [smem:$0x3F9B]  }
0x1a: {  	s8 =	sadd.s32 $0xFFFFE003, lr  }
0x1b: {  	s9 =	sadd.s32 $0xFFFFFEF7, lr;
	s5 =	simm.s32 $0xFFFFFFFF;
	p2 =	slt.u32 s8, $0xFFFFF086  }
0x1c: {  	p1 =	slt.u32 s9, $0xF7A;
	s5 =	simm.s32 @!p2 $0x0  }
0x1d: {  	s5 =	simm.s32 @p1 $0x1;
	p0 =	seq.s32 s7, s2  }
0x1e: {  	s7 =	smul.u32 @!p0 $0xF7A, s2;
	p2 =	seq.s32 @!p0 s5, $0x0  }
0x1f: {  	s9 =	smul.u32 $0xF7A, s1;
	s8 =	simm.s32 @!p0 $0x1BF5;
	p2 =	por !p2, p0  }
0x20: {  	[sflag:s8] =	ssyncset.s32 @!p0 $0xFFFFF086;
	s6 =	sadd.s32 @!p0 s3, s7;
	s7 =	simm.s32 @!p0 $0x108  }
0x21: {  	s3 =	sadd.s32 s3, s9;
	s6 =	sadd.s32 @!p0 $0x88, s6;
	s7 =	simm.s32 @p2 $0x1082  }
0x22: {  	[simem:s7], [sflag:s8] =	dma.local @!p0 [hbm:s6], $0xF7A  }
0x23: {  	s9 =	sor.u32 $0xD0000000, s2;
	s6 =	simm.s32 $0x108;
	_ =	swait.ge @!p0 [sflag:s8], $0x0  }
0x24: {  	s3 =	sadd.s32 $0x88, s3;
	s6 =	simm.s32 @!p1 $0x1082;
	[sflag:s4] =	ssyncset.s32 $0xFFFFF086  }
0x25: {  	[simem:s6], [sflag:s4] =	dma.local [hbm:s3], $0xF7A  }
0x26: {  	[smem:$0x3F9B] =	sst s1;
	(tag) =	ssettag s2;
	_ =	strace s9  }
0x27: {  	s1 =	sld [smem:$0x3FAB]  }
0x28: {  	s2 =	sld [smem:$0x3FAC]  }
0x29: {  	s4 =	sld [smem:$0x3FAE]  }
0x2a: {  	p0 =	seq.s32 s5, $0x0;
	s5 =	sld [smem:$0x3FAF]  }
0x2b: {  	s6 =	sld [smem:$0x3FB0]  }
0x2c: {  	s7 =	sld [smem:$0x3FB1]  }
0x2d: {  	s3 =	simm.s32 $0x108;
	s8 =	sld [smem:$0x3FB2]  }
0x2e: {  	s3 =	simm.s32 @!p0 $0x1082;
	s9 =	sld [smem:$0x3FB3]  }
0x2f: {  	lr =	sadd.s32 s0, s3;
	s0 =	sld [smem:$0x3FAA]  }
0x30: {  	s3 =	sld [smem:$0x3FAD]  }
0x31: {  	[smem:$0x3FB6] =	sst s10  }
0x32: {  	s10 =	sld [smem:$0x3FB4];
	_ =	sdelay $0x3  }
0x33: {  	p0 =	seq.s32 s10, $0x1;
	s10 =	sld [smem:$0x3FB6];
	_ =	sdelay $0x3  }
0x34: {  	[smem:$0x3FB6] =	sst s10  }
0x35: {  	s10 =	sld [smem:$0x3FB5];
	_ =	sdelay $0x3  }
0x36: {  	p1 =	seq.s32 s10, $0x1;
	s10 =	sld [smem:$0x3FB6];
	_ =	sdelay $0x3  }
0x37: {  	[smem:$0x3FB6] =	sst s10  }
0x38: {  	s10 =	sld [smem:$0x3FB7]  }
0x39: {  	_ = 	snop;
	(pc) =	sbr.ind lr, $3  }
0x3a: {  	_ = 	snop  }
0x3b: {  	_ = 	snop  }
0x3c: {  	p2 =	seq.s32 s10, $0x1;
	s10 =	sld [smem:$0x3FB6]  }
0x3d: {  	_ =	shalt  }
0x3e: {  	_ =	shalt  }
0x3f: {  	_ =	shalt  }
0x40: {  	_ =	shalt  }
0x41: {  	_ =	shalt  }
0x42: {  	_ =	shalt  }
0x43: {  	_ =	shalt  }
0x44: {  	_ =	shalt  }
0x45: {  	_ =	shalt  }
0x46: {  	_ =	shalt  }
0x47: {  	_ =	shalt  }
0x48: {  	_ =	shalt  }
0x49: {  	_ =	shalt  }
0x4a: {  	_ =	shalt  }
0x4b: {  	_ =	shalt  }
0x4c: {  	_ =	shalt  }
0x4d: {  	_ =	shalt  }
0x4e: {  	_ =	shalt  }
0x4f: {  	_ =	shalt  }
0x50: {  	_ =	shalt  }
0x51: {  	_ =	shalt  }
0x52: {  	_ =	shalt  }
0x53: {  	_ =	shalt  }
0x54: {  	_ =	shalt  }
0x55: {  	_ =	shalt  }
0x56: {  	_ =	shalt  }
0x57: {  	_ =	shalt  }
0x58: {  	_ =	shalt  }
0x59: {  	_ =	shalt  }
0x5a: {  	_ =	shalt  }
0x5b: {  	_ =	shalt  }
0x5c: {  	_ =	shalt  }
0x5d: {  	_ =	shalt  }
0x5e: {  	_ =	shalt  }
0x5f: {  	_ =	shalt  }
0x60: {  	_ =	shalt  }
0x61: {  	_ =	shalt  }
0x62: {  	_ =	shalt  }
0x63: {  	_ =	shalt  }
0x64: {  	_ =	shalt  }
0x65: {  	_ =	shalt  }
0x66: {  	_ =	shalt  }
0x67: {  	_ =	shalt  }
0x68: {  	_ =	shalt  }
0x69: {  	_ =	shalt  }
0x6a: {  	_ =	shalt  }
0x6b: {  	_ =	shalt  }
0x6c: {  	_ =	shalt  }
0x6d: {  	_ =	shalt  }
0x6e: {  	_ =	shalt  }
0x6f: {  	_ =	shalt  }
0x70: {  	_ =	shalt  }
0x71: {  	_ =	shalt  }
0x72: {  	_ =	shalt  }
0x73: {  	_ =	shalt  }
0x74: {  	_ =	shalt  }
0x75: {  	_ =	shalt  }
0x76: {  	_ =	shalt  }
0x77: {  	_ =	shalt  }
0x78: {  	_ =	shalt  }
0x79: {  	_ =	shalt  }
0x7a: {  	_ =	shalt  }
0x7b: {  	_ =	shalt  }
0x7c: {  	_ =	shalt  }
0x7d: {  	_ =	shalt  }
0x7e: {  	_ =	shalt  }
0x7f: {  	_ =	shalt  }
0x80: {  	_ =	shalt  }
0x81: {  	_ =	shalt  }
0x82: {  	_ =	shalt  }
0x83: {  	_ =	shalt  }
0x84: {  	_ =	shalt  }
0x85: {  	_ =	shalt  }
0x86: {  	_ =	shalt  }
0x87: {  	_ =	shalt  }
.Lfunc_end0:
.L_simem_size_0:
called_computation_lowered:
.L_overlay_start_0:
0x88: {  	s2 =	sld [smem:$0x3FD9]  }
0x89: {  	s3 =	sld [smem:$0x3FFE];
	_ =	sdelay $0x1  }
0x8a: {  	s1 =	srdreg.scid  }
0x8b: {  	s0 =	sand.u32 $0x1, s1  }
0x8c: {  	s17 =	sshll.u32 s0, $0xA;
	s2 =	sadd.s32 s3, s2  }
0x8d: {  	s2 =	sadd.s32 s2, s17  }
0x8e: {  	[smem:$0x3FC2] =	sst s2  }
0x8f: {  	_ = 	snop  }
0x90: {  	s2 =	sld [smem:$0x3FD0];
	(tm) =	ssettm $0x1  }
0x91: {  	s18 =	sld [smem:$0x3FFB];
	_ =	sdelay $0x3  }
0x92: {  	_ =	strace s18  }
0x93: {  	s3 =	sld [smem:$0x3FFC];
	_ =	sdelay $0x3  }
0x94: {  	_ =	strace s3  }
0x95: {  	s3 =	sld [smem:$0x3FFD];
	_ =	sdelay $0x3  }
0x96: {  	_ =	strace s3  }
0x97: {  	_ =	strace $0x8FFFFFFF  }
0x98: {  	s19 =	sld [smem:$0x3FDB];
	_ =	sdelay $0x1  }
0x99: {  	s4 =	simm.s32 $_scs_section_size  }
0x9a: {  	s5 =	simm.s32 $_size__tile_overlayer_lowered;
	s6 =	simm.s32 $_tile_overlayer_lowered  }
0x9b: {  	s22 =	simm.s32 $0x1BFF;
	s21 =	sshll.u32 s6, $0x1;
	s3 =	sadd.s32 s4, s19  }
0x9c: {  	s7 =	simm.s32 $0x0;
	s20 =	sshll.u32 s5, $0x1;
	s5 =	sadd.s32 s21, s3  }
0x9d: {  	[timem:s7], [sflag:s22] =	dma.local [hbm:s5], s20  }
0x9e: {  	_ =	swait.ge [sflag:s22], s20  }
0x9f: {  	s4 =	ssub.s32 $0x0, s20;
	[sflag:s22] =	ssyncset.done $0x0  }
0xa0: {  	[sflag:s22] =	ssyncadd.s32 s4;
	_ =	sdelay $0x1  }
0xa1: {  	s23 =	simm.s32 $0x1B8B  }
0xa2: {  	_ =	swait.ge [sflag:s23], $0x1  }
0xa3: {  	[sflag:s23] =	ssyncset.done $0x0  }
0xa4: {  	s25 =	simm.s32 $0x1B8E;
	s24 =	sld [smem:$0x3FFE];
	[sflag:s23] =	ssyncadd.s32 $0xFFFFFFFF  }
0xa5: {  	s26 =	simm.s32 $execute0_lowered;
	[smem:$0x3FD2] =	sst s25  }
0xa6: {  	s5 =	sshll.u32 s26, $0x1;
	_ =	strace $0x80000046;
	[dreg:$0x1] =	wrdreg $0xFFFFFFFF  }
0xa7: {  	s28 =	simm.s32 $_size_execute0_lowered;
	s3 =	sadd.s32 s3, s5;
	[dreg:$0x0] =	wrdreg $0x0  }
0xa8: {  	s5 =	sshll.u32 s28, $0x1;
	[dreg:$0x2] =	wrdreg s3  }
0xa9: {  	[dreg:$0x3] =	wrdreg s5  }
0xaa: {  	[dreg:$0x4] =	wrdreg $0xC0  }
0xab: {  	_ =	task [dreg:s7], $0x5FFFF  }
0xac: {  	[dreg:$0x1] =	wrdreg $0xFFFFFFFF  }
0xad: {  	[dreg:$0x0] =	wrdreg $0x60  }
0xae: {  	[dreg:$0x2] =	wrdreg s24  }
0xaf: {  	[dreg:$0x3] =	wrdreg s2  }
0xb0: {  	[dreg:$0x4] =	wrdreg $0x9  }
0xb1: {  	_ =	task.clear_ibuf [dreg:s7], $0x5FFFF;
	_ =	strace $0x90000046  }
0xb2: {  	s29 =	simm.s32 $0x9;
	_ =	strace $0x80000048  }
0xb3: {  	_ =	swait.ge [sflag:s29], $0x1  }
0xb4: {  	[sflag:s29] =	ssyncadd.s32 $0xFFFFFFFF  }
0xb5: {  	_ =	strace $0x90000048  }
0xb6: {  	_ =	sfence  }
0xb7: {  	s30 =	sld [smem:$0x0];
	_ =	sdelay $0x2  }
0xb8: {  	s31 =	sshll.u32 s1, $0xD;
	s1 =	sshrl.u32 s1, $0x2  }
0xb9: {  	s3 =	sand.u32 $0x4000, s31;
	s1 =	sadd.s32 s1, s30  }
0xba: {  	s0 =	sor.u32 s3, s0;
	s1 =	sshll.u32 s1, $0x11  }
0xbb: {  	s0 =	sor.u32 s1, s0  }
0xbc: {  	s0 =	sadd.s32 $0x8F2B, s0  }
0xbd: {  	[sflag:s0] =	ssyncadd.remote.s32 $0x1  }
0xbe: {  	_ =	sfence.sel $0xFFFF  }
0xbf: {  	[dreg:$0x0] =	wrdreg $0xFFFFFFFF;
	(pc) =	sbr.abs _section_cstart, $3  }
0xc0: {  	[dreg:$0x1] =	wrdreg $0xFFFFFFFF  }
0xc1: {  	_ =	task.clear_ibuf [dreg:s7], $0x2FFFF;
	_ =	strace $0x9FFFFFFF  }
0xc2: {  	(tm) =	ssettm $0x7FFFFFFF  }
0xc3: {  	_ =	shalt  }
tec
execute0_lowered:
.L_overlay_start_1:
0x0: {  	(tag) =	ssettag $0x1  }
0x1: {  	s1 =	stileid.u32  }
0x2: {  	p0 =	sgt.u32 s1, $0x5  }
.Ltmp0:
0x3: {  	_ = 	snop;
	(pc) =	sbr.rel @p0 .LBB2_5-.Ltmp0, $4  }
0x4: {  	s3 =	rddreg [dreg:$0x0]  }
0x5: {  	s4 =	rddreg [dreg:$0x1];
	s2 =	simm.s32 $0x0  }
0x6: {  	[smem:$0x7FF] =	sst s2  }
0x7: {  	s0 =	rddreg [dreg:$0x2];
	_ =	strace $0x80000047  }
0x8: {  	v0 =	vimm.s32 $0xEFCDAB89;
	v2 =	vimm.s32 $0x67452301  }
0x9: {  	v3 =	vimm.s32 $0xDCFE98BA;
	v4 =	vimm.s32 $0x54761032;
	v5 =	vimm.s32 $0xBA98FEDC  }
0xa: {  	v6 =	vimm.s32 $0x32107654;
	v7 =	vimm.s32 $0xFEDCBA98;
	vm7 =	vcmask $0x300  }
0xb: {  	vm8 =	vcmask $0x704;
	v0 =	vunpack.c.l.s4.s8 v0;
	v2 =	vunpack.c.l.s4.s8 v2  }
0xc: {  	v3 =	vunpack.c.l.s4.s8 v3;
	v4 =	vunpack.c.l.s4.s8 v4;
	v5 =	vunpack.c.l.s4.s8 v5  }
0xd: {  	v6 =	vunpack.c.l.s4.s8 v6;
	v0 =	vunpack.c.0.s8.s32 v0;
	v2 =	vunpack.c.0.s8.s32 v2  }
0xe: {  	v7 =	vunpack.c.l.s4.s8 v7;
	v3 =	vunpack.c.0.s8.s32 v3;
	v4 =	vunpack.c.0.s8.s32 v4  }
0xf: {  	v5 =	vunpack.c.0.s8.s32 v5;
	v6 =	vunpack.c.0.s8.s32 v6;
	v0 =	vcombine.low v2, v0  }
0x10: {  	v7 =	vunpack.c.0.s8.s32 v7;
	v2 =	vcombine.low v4, v3;
	v3 =	vimm.s32 $0x76543210  }
0x11: {  	v5 =	vcombine.low v6, v5;
	v6 =	vunpack.c.l.s4.s8 v3;
	v24 =	vand.u32 $0xF, v0  }
0x12: {  	v4 =	vand.u32 $0xF, v2;
	v2 =	vand.u32 $0xF, v7;
	v7 =	vimm.f32 $3.100000000e+01  }
0x13: {  	v0 =	vunpack.c.0.s8.s32 v6;
	v6 =	vimm.f32 $1.500000000e+01;
	v7 =	vsel vm7, $0x41800000, v7  }
0x14: {  	vm9 =	vcmask $0xB08;
	v6 =	vsel vm7, $0x0, v6;
	v7 =	vsel vm8, $0x41880000, v7  }
0x15: {  	vm10 =	vcmask $0xF0C;
	v6 =	vsel vm8, $0x3F800000, v6;
	v7 =	vsel vm9, $0x41900000, v7  }
0x16: {  	vm11 =	vcmask $0x1310;
	v6 =	vsel vm9, $0x40000000, v6;
	v7 =	vsel vm10, $0x41980000, v7  }
0x17: {  	vm12 =	vcmask $0x1714;
	v6 =	vsel vm10, $0x40400000, v6;
	v7 =	vsel vm11, $0x41A00000, v7  }
0x18: {  	vm13 =	vcmask $0x1B18;
	v6 =	vsel vm11, $0x40800000, v6;
	v7 =	vsel vm12, $0x41A80000, v7  }
0x19: {  	vm14 =	vcmask $0x1F1C;
	v6 =	vsel vm12, $0x40A00000, v6;
	v7 =	vsel vm13, $0x41B00000, v7  }
0x1a: {  	vm6 =	vcmask $0x2320;
	v6 =	vsel vm13, $0x40C00000, v6;
	v7 =	vsel vm14, $0x41B80000, v7  }
0x1b: {  	vm5 =	vcmask $0x2724;
	v6 =	vsel vm14, $0x40E00000, v6;
	v7 =	vsel vm6, $0x41C00000, v7  }
0x1c: {  	vm4 =	vcmask $0x2B28;
	v6 =	vsel vm6, $0x41000000, v6;
	v7 =	vsel vm5, $0x41C80000, v7  }
0x1d: {  	vm3 =	vcmask $0x2F2C;
	v6 =	vsel vm5, $0x41100000, v6;
	v7 =	vsel vm4, $0x41D00000, v7  }
0x1e: {  	vm2 =	vcmask $0x3330;
	v6 =	vsel vm4, $0x41200000, v6;
	v7 =	vsel vm3, $0x41D80000, v7  }
0x1f: {  	vm1 =	vcmask $0x3734;
	v6 =	vsel vm3, $0x41300000, v6;
	v7 =	vsel vm2, $0x41E00000, v7  }
0x20: {  	vm0 =	vcmask $0x3B38;
	v6 =	vsel vm2, $0x41400000, v6;
	v7 =	vsel vm1, $0x41E80000, v7  }
0x21: {  	v8 =	vsel vm1, $0x41500000, v6;
	v6 =	vcombine.low v2, v0;
	v22 =	vsel vm0, $0x41F00000, v7  }
0x22: {  	v0 =	vimm.f32 $4.700000000e+01;
	v2 =	vimm.f32 $6.300000000e+01;
	v7 =	vimm.f32 $7.900000000e+01  }
0x23: {  	v0 =	vsel vm7, $0x42000000, v0;
	v2 =	vsel vm7, $0x42400000, v2;
	v7 =	vsel vm7, $0x42800000, v7  }
0x24: {  	v0 =	vsel vm8, $0x42040000, v0;
	v2 =	vsel vm8, $0x42440000, v2;
	v7 =	vsel vm8, $0x42820000, v7  }
0x25: {  	v0 =	vsel vm9, $0x42080000, v0;
	v2 =	vsel vm9, $0x42480000, v2;
	v7 =	vsel vm9, $0x42840000, v7  }
0x26: {  	v0 =	vsel vm10, $0x420C0000, v0;
	v2 =	vsel vm10, $0x424C0000, v2;
	v7 =	vsel vm10, $0x42860000, v7  }
0x27: {  	v0 =	vsel vm11, $0x42100000, v0;
	v2 =	vsel vm11, $0x42500000, v2;
	v7 =	vsel vm11, $0x42880000, v7  }
0x28: {  	v0 =	vsel vm12, $0x42140000, v0;
	v2 =	vsel vm12, $0x42540000, v2;
	v7 =	vsel vm12, $0x428A0000, v7  }
0x29: {  	v0 =	vsel vm13, $0x42180000, v0;
	v2 =	vsel vm13, $0x42580000, v2;
	v7 =	vsel vm13, $0x428C0000, v7  }
0x2a: {  	v0 =	vsel vm14, $0x421C0000, v0;
	v2 =	vsel vm14, $0x425C0000, v2;
	v7 =	vsel vm14, $0x428E0000, v7  }
0x2b: {  	v0 =	vsel vm6, $0x42200000, v0;
	v2 =	vsel vm6, $0x42600000, v2;
	v7 =	vsel vm6, $0x42900000, v7  }
0x2c: {  	v0 =	vsel vm5, $0x42240000, v0;
	v2 =	vsel vm5, $0x42640000, v2;
	v7 =	vsel vm5, $0x42920000, v7  }
0x2d: {  	v0 =	vsel vm4, $0x42280000, v0;
	v2 =	vsel vm4, $0x42680000, v2;
	v7 =	vsel vm4, $0x42940000, v7  }
0x2e: {  	v0 =	vsel vm3, $0x422C0000, v0;
	v2 =	vsel vm3, $0x426C0000, v2;
	v7 =	vsel vm3, $0x42960000, v7  }
0x2f: {  	v0 =	vsel vm2, $0x42300000, v0;
	v2 =	vsel vm2, $0x42700000, v2;
	v7 =	vsel vm2, $0x42980000, v7  }
0x30: {  	v0 =	vsel vm1, $0x42340000, v0;
	v2 =	vsel vm1, $0x42740000, v2;
	v7 =	vsel vm1, $0x429A0000, v7  }
0x31: {  	v38 =	vsel vm0, $0x42380000, v0;
	v0 =	vsel vm0, $0x42780000, v2;
	v25 =	vsel vm0, $0x429C0000, v7  }
0x32: {  	v2 =	vimm.f32 $1.110000000e+02;
	v7 =	vimm.f32 $1.270000000e+02;
	[tilespmem:$0x1FF00] =	vst v0;
	v0 =	vimm.f32 $9.500000000e+01  }
0x33: {  	v2 =	vsel vm7, $0x42C00000, v2;
	v7 =	vsel vm7, $0x42E00000, v7;
	v0 =	vsel vm7, $0x42A00000, v0  }
0x34: {  	v2 =	vsel vm8, $0x42C20000, v2;
	v7 =	vsel vm8, $0x42E20000, v7;
	v0 =	vsel vm8, $0x42A20000, v0  }
0x35: {  	v2 =	vsel vm9, $0x42C40000, v2;
	v7 =	vsel vm9, $0x42E40000, v7;
	v0 =	vsel vm9, $0x42A40000, v0  }
0x36: {  	v2 =	vsel vm10, $0x42C60000, v2;
	v7 =	vsel vm10, $0x42E60000, v7;
	v0 =	vsel vm10, $0x42A60000, v0  }
0x37: {  	v2 =	vsel vm11, $0x42C80000, v2;
	v7 =	vsel vm11, $0x42E80000, v7;
	v0 =	vsel vm11, $0x42A80000, v0  }
0x38: {  	v2 =	vsel vm12, $0x42CA0000, v2;
	v7 =	vsel vm12, $0x42EA0000, v7;
	v0 =	vsel vm12, $0x42AA0000, v0  }
0x39: {  	v2 =	vsel vm13, $0x42CC0000, v2;
	v7 =	vsel vm13, $0x42EC0000, v7;
	v0 =	vsel vm13, $0x42AC0000, v0  }
0x3a: {  	v2 =	vsel vm14, $0x42CE0000, v2;
	v7 =	vsel vm14, $0x42EE0000, v7;
	v0 =	vsel vm14, $0x42AE0000, v0  }
0x3b: {  	v2 =	vsel vm6, $0x42D00000, v2;
	v7 =	vsel vm6, $0x42F00000, v7;
	v0 =	vsel vm6, $0x42B00000, v0  }
0x3c: {  	v2 =	vsel vm5, $0x42D20000, v2;
	v7 =	vsel vm5, $0x42F20000, v7;
	v0 =	vsel vm5, $0x42B20000, v0  }
0x3d: {  	v2 =	vsel vm4, $0x42D40000, v2;
	v7 =	vsel vm4, $0x42F40000, v7;
	v0 =	vsel vm4, $0x42B40000, v0  }
0x3e: {  	v2 =	vsel vm3, $0x42D60000, v2;
	v7 =	vsel vm3, $0x42F60000, v7;
	v0 =	vsel vm3, $0x42B60000, v0  }
0x3f: {  	v2 =	vsel vm2, $0x42D80000, v2;
	v7 =	vsel vm2, $0x42F80000, v7;
	v0 =	vsel vm2, $0x42B80000, v0  }
0x40: {  	v2 =	vsel vm1, $0x42DA0000, v2;
	v7 =	vsel vm1, $0x42FA0000, v7;
	v0 =	vsel vm1, $0x42BA0000, v0  }
0x41: {  	v27 =	vsel vm0, $0x42DC0000, v2;
	v28 =	vsel vm0, $0x42FC0000, v7;
	v2 =	vimm.f32 $1.590000000e+02  }
0x42: {  	v7 =	vimm.f32 $1.750000000e+02;
	v26 =	vsel vm0, $0x42BC0000, v0;
	v0 =	vimm.f32 $1.430000000e+02  }
0x43: {  	v2 =	vsel vm7, $0x43100000, v2;
	v7 =	vsel vm7, $0x43200000, v7;
	v0 =	vsel vm7, $0x43000000, v0  }
0x44: {  	v2 =	vsel vm8, $0x43110000, v2;
	v7 =	vsel vm8, $0x43210000, v7;
	v0 =	vsel vm8, $0x43010000, v0  }
0x45: {  	v2 =	vsel vm9, $0x43120000, v2;
	v7 =	vsel vm9, $0x43220000, v7;
	v0 =	vsel vm9, $0x43020000, v0  }
0x46: {  	v2 =	vsel vm10, $0x43130000, v2;
	v7 =	vsel vm10, $0x43230000, v7;
	v0 =	vsel vm10, $0x43030000, v0  }
0x47: {  	v2 =	vsel vm11, $0x43140000, v2;
	v7 =	vsel vm11, $0x43240000, v7;
	v0 =	vsel vm11, $0x43040000, v0  }
0x48: {  	v2 =	vsel vm12, $0x43150000, v2;
	v7 =	vsel vm12, $0x43250000, v7;
	v0 =	vsel vm12, $0x43050000, v0  }
0x49: {  	v2 =	vsel vm13, $0x43160000, v2;
	v7 =	vsel vm13, $0x43260000, v7;
	v0 =	vsel vm13, $0x43060000, v0  }
0x4a: {  	v2 =	vsel vm14, $0x43170000, v2;
	v7 =	vsel vm14, $0x43270000, v7;
	v0 =	vsel vm14, $0x43070000, v0  }
0x4b: {  	v2 =	vsel vm6, $0x43180000, v2;
	v7 =	vsel vm6, $0x43280000, v7;
	v0 =	vsel vm6, $0x43080000, v0  }
0x4c: {  	v2 =	vsel vm5, $0x43190000, v2;
	v7 =	vsel vm5, $0x43290000, v7;
	v0 =	vsel vm5, $0x43090000, v0  }
0x4d: {  	v2 =	vsel vm4, $0x431A0000, v2;
	v7 =	vsel vm4, $0x432A0000, v7;
	v0 =	vsel vm4, $0x430A0000, v0  }
0x4e: {  	v2 =	vsel vm3, $0x431B0000, v2;
	v7 =	vsel vm3, $0x432B0000, v7;
	v0 =	vsel vm3, $0x430B0000, v0  }
0x4f: {  	v2 =	vsel vm2, $0x431C0000, v2;
	v7 =	vsel vm2, $0x432C0000, v7;
	v0 =	vsel vm2, $0x430C0000, v0  }
0x50: {  	v2 =	vsel vm1, $0x431D0000, v2;
	v7 =	vsel vm1, $0x432D0000, v7;
	v0 =	vsel vm1, $0x430D0000, v0  }
0x51: {  	v30 =	vsel vm0, $0x431E0000, v2;
	v19 =	vsel vm0, $0x432E0000, v7;
	v2 =	vimm.f32 $2.070000000e+02  }
0x52: {  	v7 =	vimm.f32 $2.230000000e+02;
	v29 =	vsel vm0, $0x430E0000, v0;
	v0 =	vimm.f32 $1.910000000e+02  }
0x53: {  	v2 =	vsel vm7, $0x43400000, v2;
	v7 =	vsel vm7, $0x43500000, v7;
	v0 =	vsel vm7, $0x43300000, v0  }
0x54: {  	v2 =	vsel vm8, $0x43410000, v2;
	v7 =	vsel vm8, $0x43510000, v7;
	v0 =	vsel vm8, $0x43310000, v0  }
0x55: {  	v2 =	vsel vm9, $0x43420000, v2;
	v7 =	vsel vm9, $0x43520000, v7;
	v0 =	vsel vm9, $0x43320000, v0  }
0x56: {  	v2 =	vsel vm10, $0x43430000, v2;
	v7 =	vsel vm10, $0x43530000, v7;
	v0 =	vsel vm10, $0x43330000, v0  }
0x57: {  	v2 =	vsel vm11, $0x43440000, v2;
	v7 =	vsel vm11, $0x43540000, v7;
	v0 =	vsel vm11, $0x43340000, v0  }
0x58: {  	v2 =	vsel vm12, $0x43450000, v2;
	v7 =	vsel vm12, $0x43550000, v7;
	v0 =	vsel vm12, $0x43350000, v0  }
0x59: {  	v2 =	vsel vm13, $0x43460000, v2;
	v7 =	vsel vm13, $0x43560000, v7;
	v0 =	vsel vm13, $0x43360000, v0  }
0x5a: {  	v2 =	vsel vm14, $0x43470000, v2;
	v7 =	vsel vm14, $0x43570000, v7;
	v0 =	vsel vm14, $0x43370000, v0  }
0x5b: {  	v2 =	vsel vm6, $0x43480000, v2;
	v7 =	vsel vm6, $0x43580000, v7;
	v0 =	vsel vm6, $0x43380000, v0  }
0x5c: {  	v2 =	vsel vm5, $0x43490000, v2;
	v7 =	vsel vm5, $0x43590000, v7;
	v0 =	vsel vm5, $0x43390000, v0  }
0x5d: {  	v2 =	vsel vm4, $0x434A0000, v2;
	v7 =	vsel vm4, $0x435A0000, v7;
	v0 =	vsel vm4, $0x433A0000, v0  }
0x5e: {  	v2 =	vsel vm3, $0x434B0000, v2;
	v7 =	vsel vm3, $0x435B0000, v7;
	v0 =	vsel vm3, $0x433B0000, v0  }
0x5f: {  	v2 =	vsel vm2, $0x434C0000, v2;
	v7 =	vsel vm2, $0x435C0000, v7;
	v0 =	vsel vm2, $0x433C0000, v0  }
0x60: {  	v2 =	vsel vm1, $0x434D0000, v2;
	v7 =	vsel vm1, $0x435D0000, v7;
	v0 =	vsel vm1, $0x433D0000, v0  }
0x61: {  	v33 =	vsel vm0, $0x434E0000, v2;
	v34 =	vsel vm0, $0x435E0000, v7;
	v2 =	vimm.f32 $2.550000000e+02  }
0x62: {  	v7 =	vimm.f32 $2.710000000e+02;
	v20 =	vsel vm0, $0x433E0000, v0;
	v0 =	vimm.f32 $2.390000000e+02  }
0x63: {  	v2 =	vsel vm7, $0x43700000, v2;
	v7 =	vsel vm7, $0x43800000, v7;
	v0 =	vsel vm7, $0x43600000, v0  }
0x64: {  	v2 =	vsel vm8, $0x43710000, v2;
	v7 =	vsel vm8, $0x43808000, v7;
	v0 =	vsel vm8, $0x43610000, v0  }
0x65: {  	v2 =	vsel vm9, $0x43720000, v2;
	v7 =	vsel vm9, $0x43810000, v7;
	v0 =	vsel vm9, $0x43620000, v0  }
0x66: {  	v2 =	vsel vm10, $0x43730000, v2;
	v7 =	vsel vm10, $0x43818000, v7;
	v0 =	vsel vm10, $0x43630000, v0  }
0x67: {  	v2 =	vsel vm11, $0x43740000, v2;
	v7 =	vsel vm11, $0x43820000, v7;
	v0 =	vsel vm11, $0x43640000, v0  }
0x68: {  	v2 =	vsel vm12, $0x43750000, v2;
	v7 =	vsel vm12, $0x43828000, v7;
	v0 =	vsel vm12, $0x43650000, v0  }
0x69: {  	v2 =	vsel vm13, $0x43760000, v2;
	v7 =	vsel vm13, $0x43830000, v7;
	v0 =	vsel vm13, $0x43660000, v0  }
0x6a: {  	v2 =	vsel vm14, $0x43770000, v2;
	v7 =	vsel vm14, $0x43838000, v7;
	v0 =	vsel vm14, $0x43670000, v0  }
0x6b: {  	v2 =	vsel vm6, $0x43780000, v2;
	v7 =	vsel vm6, $0x43840000, v7;
	v0 =	vsel vm6, $0x43680000, v0  }
0x6c: {  	v2 =	vsel vm5, $0x43790000, v2;
	v7 =	vsel vm5, $0x43848000, v7;
	v0 =	vsel vm5, $0x43690000, v0  }
0x6d: {  	v2 =	vsel vm4, $0x437A0000, v2;
	v7 =	vsel vm4, $0x43850000, v7;
	v0 =	vsel vm4, $0x436A0000, v0  }
0x6e: {  	v2 =	vsel vm3, $0x437B0000, v2;
	v7 =	vsel vm3, $0x43858000, v7;
	v0 =	vsel vm3, $0x436B0000, v0  }
0x6f: {  	v2 =	vsel vm2, $0x437C0000, v2;
	v7 =	vsel vm2, $0x43860000, v7;
	v0 =	vsel vm2, $0x436C0000, v0  }
0x70: {  	v2 =	vsel vm1, $0x437D0000, v2;
	v7 =	vsel vm1, $0x43868000, v7;
	v0 =	vsel vm1, $0x436D0000, v0  }
0x71: {  	v3 =	vsel vm0, $0x437E0000, v2;
	v37 =	vsel vm0, $0x43870000, v7;
	v2 =	vimm.f32 $3.030000000e+02  }
0x72: {  	v7 =	vimm.f32 $3.190000000e+02;
	v35 =	vsel vm0, $0x436E0000, v0;
	v0 =	vimm.f32 $2.870000000e+02  }
0x73: {  	v2 =	vsel vm7, $0x43900000, v2;
	v7 =	vsel vm7, $0x43980000, v7;
	v0 =	vsel vm7, $0x43880000, v0  }
0x74: {  	v2 =	vsel vm8, $0x43908000, v2;
	v7 =	vsel vm8, $0x43988000, v7;
	v0 =	vsel vm8, $0x43888000, v0  }
0x75: {  	v2 =	vsel vm9, $0x43910000, v2;
	v7 =	vsel vm9, $0x43990000, v7;
	v0 =	vsel vm9, $0x43890000, v0  }
0x76: {  	v2 =	vsel vm10, $0x43918000, v2;
	v7 =	vsel vm10, $0x43998000, v7;
	v0 =	vsel vm10, $0x43898000, v0  }
0x77: {  	v2 =	vsel vm11, $0x43920000, v2;
	v7 =	vsel vm11, $0x439A0000, v7;
	v0 =	vsel vm11, $0x438A0000, v0  }
0x78: {  	v2 =	vsel vm12, $0x43928000, v2;
	v7 =	vsel vm12, $0x439A8000, v7;
	v0 =	vsel vm12, $0x438A8000, v0  }
0x79: {  	v2 =	vsel vm13, $0x43930000, v2;
	v7 =	vsel vm13, $0x439B0000, v7;
	v0 =	vsel vm13, $0x438B0000, v0  }
0x7a: {  	v2 =	vsel vm14, $0x43938000, v2;
	v7 =	vsel vm14, $0x439B8000, v7;
	v0 =	vsel vm14, $0x438B8000, v0  }
0x7b: {  	v2 =	vsel vm6, $0x43940000, v2;
	v7 =	vsel vm6, $0x439C0000, v7;
	v0 =	vsel vm6, $0x438C0000, v0  }
0x7c: {  	v2 =	vsel vm5, $0x43948000, v2;
	v7 =	vsel vm5, $0x439C8000, v7;
	v0 =	vsel vm5, $0x438C8000, v0  }
0x7d: {  	v2 =	vsel vm4, $0x43950000, v2;
	v7 =	vsel vm4, $0x439D0000, v7;
	v0 =	vsel vm4, $0x438D0000, v0  }
0x7e: {  	v2 =	vsel vm3, $0x43958000, v2;
	v7 =	vsel vm3, $0x439D8000, v7;
	v0 =	vsel vm3, $0x438D8000, v0  }
0x7f: {  	v2 =	vsel vm2, $0x43960000, v2;
	v7 =	vsel vm2, $0x439E0000, v7;
	v0 =	vsel vm2, $0x438E0000, v0  }
0x80: {  	v2 =	vsel vm1, $0x43968000, v2;
	v7 =	vsel vm1, $0x439E8000, v7;
	v0 =	vsel vm1, $0x438E8000, v0  }
0x81: {  	v31 =	vsel vm0, $0x43970000, v2;
	v32 =	vsel vm0, $0x439F0000, v7;
	v2 =	vimm.f32 $3.510000000e+02  }
0x82: {  	v7 =	vimm.f32 $3.670000000e+02;
	v23 =	vsel vm0, $0x438F0000, v0;
	v0 =	vimm.f32 $3.350000000e+02  }
0x83: {  	v2 =	vsel vm7, $0x43A80000, v2;
	v7 =	vsel vm7, $0x43B00000, v7;
	v0 =	vsel vm7, $0x43A00000, v0  }
0x84: {  	v2 =	vsel vm8, $0x43A88000, v2;
	v7 =	vsel vm8, $0x43B08000, v7;
	v0 =	vsel vm8, $0x43A08000, v0  }
0x85: {  	v2 =	vsel vm9, $0x43A90000, v2;
	v7 =	vsel vm9, $0x43B10000, v7;
	v0 =	vsel vm9, $0x43A10000, v0  }
0x86: {  	v2 =	vsel vm10, $0x43A98000, v2;
	v7 =	vsel vm10, $0x43B18000, v7;
	v0 =	vsel vm10, $0x43A18000, v0  }
0x87: {  	v2 =	vsel vm11, $0x43AA0000, v2;
	v7 =	vsel vm11, $0x43B20000, v7;
	v0 =	vsel vm11, $0x43A20000, v0  }
0x88: {  	v2 =	vsel vm12, $0x43AA8000, v2;
	v7 =	vsel vm12, $0x43B28000, v7;
	v0 =	vsel vm12, $0x43A28000, v0  }
0x89: {  	v2 =	vsel vm13, $0x43AB0000, v2;
	v7 =	vsel vm13, $0x43B30000, v7;
	v0 =	vsel vm13, $0x43A30000, v0  }
0x8a: {  	v2 =	vsel vm14, $0x43AB8000, v2;
	v7 =	vsel vm14, $0x43B38000, v7;
	v0 =	vsel vm14, $0x43A38000, v0  }
0x8b: {  	v2 =	vsel vm6, $0x43AC0000, v2;
	v7 =	vsel vm6, $0x43B40000, v7;
	v0 =	vsel vm6, $0x43A40000, v0  }
0x8c: {  	v2 =	vsel vm5, $0x43AC8000, v2;
	v7 =	vsel vm5, $0x43B48000, v7;
	v0 =	vsel vm5, $0x43A48000, v0  }
0x8d: {  	v2 =	vsel vm4, $0x43AD0000, v2;
	v7 =	vsel vm4, $0x43B50000, v7;
	v0 =	vsel vm4, $0x43A50000, v0  }
0x8e: {  	v2 =	vsel vm3, $0x43AD8000, v2;
	v7 =	vsel vm3, $0x43B58000, v7;
	v0 =	vsel vm3, $0x43A58000, v0  }
0x8f: {  	v2 =	vsel vm2, $0x43AE0000, v2;
	v7 =	vsel vm2, $0x43B60000, v7;
	v0 =	vsel vm2, $0x43A60000, v0  }
0x90: {  	v2 =	vsel vm1, $0x43AE8000, v2;
	v7 =	vsel vm1, $0x43B68000, v7;
	v0 =	vsel vm1, $0x43A68000, v0  }
0x91: {  	v17 =	vsel vm0, $0x43AF0000, v2;
	v16 =	vsel vm0, $0x43A70000, v0;
	v0 =	vimm.f32 $3.830000000e+02  }
0x92: {  	v18 =	vsel vm0, $0x43B70000, v7;
	v2 =	vimm.f32 $3.990000000e+02;
	v0 =	vsel vm7, $0x43B80000, v0  }
0x93: {  	v7 =	vimm.f32 $4.150000000e+02;
	v2 =	vsel vm7, $0x43C00000, v2;
	v0 =	vsel vm8, $0x43B88000, v0  }
0x94: {  	v7 =	vsel vm7, $0x43C80000, v7;
	v2 =	vsel vm8, $0x43C08000, v2;
	v0 =	vsel vm9, $0x43B90000, v0  }
0x95: {  	v7 =	vsel vm8, $0x43C88000, v7;
	v2 =	vsel vm9, $0x43C10000, v2;
	v0 =	vsel vm10, $0x43B98000, v0  }
0x96: {  	v7 =	vsel vm9, $0x43C90000, v7;
	v2 =	vsel vm10, $0x43C18000, v2;
	v0 =	vsel vm11, $0x43BA0000, v0  }
0x97: {  	v7 =	vsel vm10, $0x43C98000, v7;
	v2 =	vsel vm11, $0x43C20000, v2;
	v0 =	vsel vm12, $0x43BA8000, v0  }
0x98: {  	v7 =	vsel vm11, $0x43CA0000, v7;
	v2 =	vsel vm12, $0x43C28000, v2;
	v0 =	vsel vm13, $0x43BB0000, v0  }
0x99: {  	v7 =	vsel vm12, $0x43CA8000, v7;
	v2 =	vsel vm13, $0x43C30000, v2;
	v0 =	vsel vm14, $0x43BB8000, v0  }
0x9a: {  	v7 =	vsel vm13, $0x43CB0000, v7;
	v2 =	vsel vm14, $0x43C38000, v2;
	v0 =	vsel vm6, $0x43BC0000, v0  }
0x9b: {  	v7 =	vsel vm14, $0x43CB8000, v7;
	v2 =	vsel vm6, $0x43C40000, v2;
	v0 =	vsel vm5, $0x43BC8000, v0  }
0x9c: {  	v7 =	vsel vm6, $0x43CC0000, v7;
	v2 =	vsel vm5, $0x43C48000, v2;
	v0 =	vsel vm4, $0x43BD0000, v0  }
0x9d: {  	v7 =	vsel vm5, $0x43CC8000, v7;
	v2 =	vsel vm4, $0x43C50000, v2;
	v0 =	vsel vm3, $0x43BD8000, v0  }
0x9e: {  	v7 =	vsel vm4, $0x43CD0000, v7;
	v2 =	vsel vm3, $0x43C58000, v2;
	v0 =	vsel vm2, $0x43BE0000, v0  }
0x9f: {  	v7 =	vsel vm3, $0x43CD8000, v7;
	v2 =	vsel vm2, $0x43C60000, v2;
	v0 =	vsel vm1, $0x43BE8000, v0  }
0xa0: {  	v7 =	vsel vm2, $0x43CE0000, v7;
	v2 =	vsel vm1, $0x43C68000, v2;
	v0 =	vsel vm0, $0x43BF0000, v0  }
0xa1: {  	v7 =	vsel vm1, $0x43CE8000, v7;
	[tilespmem:$0x1FF10] =	vst v0;
	v0 =	vsel vm0, $0x43C70000, v2  }
0xa2: {  	[tilespmem:$0x1FF20] =	vst v0;
	v0 =	vsel vm0, $0x43CF0000, v7  }
0xa3: {  	[tilespmem:$0x1FF30] =	vst v0;
	v0 =	vimm.f32 $4.310000000e+02  }
0xa4: {  	v2 =	vimm.f32 $4.470000000e+02;
	v0 =	vsel vm7, $0x43D00000, v0  }
0xa5: {  	v7 =	vimm.f32 $4.630000000e+02;
	v2 =	vsel vm7, $0x43D80000, v2;
	v0 =	vsel vm8, $0x43D08000, v0  }
0xa6: {  	v7 =	vsel vm7, $0x43E00000, v7;
	v2 =	vsel vm8, $0x43D88000, v2;
	v0 =	vsel vm9, $0x43D10000, v0  }
0xa7: {  	v7 =	vsel vm8, $0x43E08000, v7;
	v2 =	vsel vm9, $0x43D90000, v2;
	v0 =	vsel vm10, $0x43D18000, v0  }
0xa8: {  	v7 =	vsel vm9, $0x43E10000, v7;
	v2 =	vsel vm10, $0x43D98000, v2;
	v0 =	vsel vm11, $0x43D20000, v0  }
0xa9: {  	v7 =	vsel vm10, $0x43E18000, v7;
	v2 =	vsel vm11, $0x43DA0000, v2;
	v0 =	vsel vm12, $0x43D28000, v0  }
0xaa: {  	v7 =	vsel vm11, $0x43E20000, v7;
	v2 =	vsel vm12, $0x43DA8000, v2;
	v0 =	vsel vm13, $0x43D30000, v0  }
0xab: {  	v7 =	vsel vm12, $0x43E28000, v7;
	v2 =	vsel vm13, $0x43DB0000, v2;
	v0 =	vsel vm14, $0x43D38000, v0  }
0xac: {  	v7 =	vsel vm13, $0x43E30000, v7;
	v2 =	vsel vm14, $0x43DB8000, v2;
	v0 =	vsel vm6, $0x43D40000, v0  }
0xad: {  	v7 =	vsel vm14, $0x43E38000, v7;
	v2 =	vsel vm6, $0x43DC0000, v2;
	v0 =	vsel vm5, $0x43D48000, v0  }
0xae: {  	v7 =	vsel vm6, $0x43E40000, v7;
	v2 =	vsel vm5, $0x43DC8000, v2;
	v0 =	vsel vm4, $0x43D50000, v0  }
0xaf: {  	s5 =	srdreg.scid;
	v7 =	vsel vm5, $0x43E48000, v7;
	v2 =	vsel vm4, $0x43DD0000, v2;
	v0 =	vsel vm3, $0x43D58000, v0  }
0xb0: {  	s5 =	sand.u32 $0x1, s5;
	v7 =	vsel vm4, $0x43E50000, v7;
	v2 =	vsel vm3, $0x43DD8000, v2;
	v0 =	vsel vm2, $0x43D60000, v0  }
0xb1: {  	s6 =	smul.u32 $0x6, s5;
	v7 =	vsel vm3, $0x43E58000, v7;
	v2 =	vsel vm2, $0x43DE0000, v2;
	v0 =	vsel vm1, $0x43D68000, v0  }
0xb2: {  	v7 =	vsel vm2, $0x43E60000, v7;
	v2 =	vsel vm1, $0x43DE8000, v2;
	v0 =	vsel vm0, $0x43D70000, v0  }
0xb3: {  	s6 =	sadd.s32 s1, s6;
	v7 =	vsel vm1, $0x43E68000, v7;
	[tilespmem:$0x1FF40] =	vst v0;
	v0 =	vsel vm0, $0x43DF0000, v2  }
0xb4: {  	s7 =	sshll.u32 s6, $0x9;
	[tilespmem:$0x1FF50] =	vst v0;
	v0 =	vsel vm0, $0x43E70000, v7  }
0xb5: {  	v36 =	vlaneseq.u32;
	v1 =	vmov s7;
	[tilespmem:$0x1FF60] =	vst v0;
	v0 =	vimm.f32 $4.790000000e+02  }
0xb6: {  	[tilespmem:$0x1FEE0] =	vst v1;
	v1 =	vand.u32 $0x3, v36;
	v2 =	vimm.f32 $4.950000000e+02;
	v0 =	vsel vm7, $0x43E80000, v0  }
0xb7: {  	v7 =	vimm.f32 $5.110000000e+02;
	v2 =	vsel vm7, $0x43F00000, v2;
	v0 =	vsel vm8, $0x43E88000, v0  }
0xb8: {  	v7 =	vsel vm7, $0x43F80000, v7;
	v2 =	vsel vm8, $0x43F08000, v2;
	v0 =	vsel vm9, $0x43E90000, v0  }
0xb9: {  	v7 =	vsel vm8, $0x43F88000, v7;
	v2 =	vsel vm9, $0x43F10000, v2;
	v0 =	vsel vm10, $0x43E98000, v0  }
0xba: {  	v7 =	vsel vm9, $0x43F90000, v7;
	v2 =	vsel vm10, $0x43F18000, v2;
	v0 =	vsel vm11, $0x43EA0000, v0  }
0xbb: {  	v7 =	vsel vm10, $0x43F98000, v7;
	v2 =	vsel vm11, $0x43F20000, v2;
	v0 =	vsel vm12, $0x43EA8000, v0  }
0xbc: {  	v7 =	vsel vm11, $0x43FA0000, v7;
	v2 =	vsel vm12, $0x43F28000, v2;
	v0 =	vsel vm13, $0x43EB0000, v0  }
0xbd: {  	v7 =	vsel vm12, $0x43FA8000, v7;
	v2 =	vsel vm13, $0x43F30000, v2;
	v0 =	vsel vm14, $0x43EB8000, v0  }
0xbe: {  	[tilespmem:$0x1FEF0] =	vst v1;
	v7 =	vsel vm13, $0x43FB0000, v7;
	v2 =	vsel vm14, $0x43F38000, v2;
	v0 =	vsel vm6, $0x43EC0000, v0  }
0xbf: {  	[tilespmem:$0x1FFA0] =	vst v6;
	v7 =	vsel vm14, $0x43FB8000, v7;
	v2 =	vsel vm6, $0x43F40000, v2;
	v0 =	vsel vm5, $0x43EC8000, v0  }
0xc0: {  	[tilespmem:$0x1FFB0] =	vst v31;
	v7 =	vsel vm6, $0x43FC0000, v7;
	v2 =	vsel vm5, $0x43F48000, v2;
	v0 =	vsel vm4, $0x43ED0000, v0  }
0xc1: {  	s28 =	sadd.s32 $0x1A00, s3;
	[tilespmem:$0x1FFC0] =	vst v32;
	v7 =	vsel vm5, $0x43FC8000, v7;
	v2 =	vsel vm4, $0x43F50000, v2;
	v0 =	vsel vm3, $0x43ED8000, v0  }
0xc2: {  	s29 =	sadd.s32 $0x1800, s3;
	s31 =	simm.s32 $0x10;
	s8 =	simm.s32 $0x880;
	[tilespmem:$0x1FFD0] =	vst v17;
	v7 =	vsel vm4, $0x43FD0000, v7;
	v2 =	vsel vm3, $0x43F58000, v2;
	v0 =	vsel vm2, $0x43EE0000, v0  }
0xc3: {  	s9 =	simm.s32 $0x900;
	[dreg:$0x3] =	wrdreg s28;
	s5 =	ssub.s32 $0x2, s5;
	[tilespmem:$0x1FFF0] =	vst v18;
	v7 =	vsel vm3, $0x43FD8000, v7;
	v2 =	vsel vm2, $0x43F60000, v2;
	v0 =	vsel vm1, $0x43EE8000, v0  }
0xc4: {  	s10 =	simm.s32 $0x0;
	[dreg:$0x5] =	wrdreg s31;
	s30 =	sshrl.u32 s5, $0x1;
	[tilespmem:$0x1FFE0] =	vst v16;
	v7 =	vsel vm2, $0x43FE0000, v7;
	v2 =	vsel vm1, $0x43F68000, v2;
	v0 =	vsel vm0, $0x43EF0000, v0  }
0xc5: {  	[dreg:$0x4] =	wrdreg s8;
	s5 =	ssub.s32 s5, s30;
	s6 =	sshll.u32 s6, $0x4;
	v7 =	vsel vm1, $0x43FE8000, v7;
	[tilespmem:$0x1FF70] =	vst v0;
	v0 =	vsel vm0, $0x43F70000, v2  }
0xc6: {  	s8 =	simm.s32 $0x1;
	s5 =	smax.u32 s5, $0x1;
	s3 =	sadd.s32 s4, s6;
	[tilespmem:$0x1FF80] =	vst v0;
	v0 =	vsel vm0, $0x43FF0000, v7  }
0xc7: {  	s4 =	sadd.s32 s29, s6;
	s6 =	simm.s32 $0x800;
	s7 =	simm.s32 $0x2;
	v5 =	vand.u32 $0xF, v5;
	v21 =	vsel vm0, $0x41600000, v8;
	[tilespmem:$0x1FF90] =	vst v0  }
.LBB2_2:
0xc8: {  	s11 =	simm.s32 $0x0  }
0xc9: {  	[tilespmem:s6], [sflag:$0x2] =	stream.linear.gather [hbm4b:s4+s11], $0x80, $0x38;
	[tilespmem:$0x980] =	vst v63  }
0xca: {  	_ =	swait.ge [sflag:s7], $0x80  }
0xcb: {  	[sflag:s7] =	ssyncset.done $0x0  }
0xcc: {  	v0 =	vld [tilespmem:$0x1FEE0];
	[sflag:s7] =	ssyncadd.s32 $0xFFFFFF80  }
0xcd: {  	v15 =	vld [tilespmem:$0x800];
	_ =	sdelay $0x1  }
0xce: {  	v1 =	vld [tilespmem:$0x1FEF0];
	_ =	sdelay $0x2  }
0xcf: {  	v0 =	vadd.s32 v0, v15  }
0xd0: {  	s12 =	rddreg [dreg:$0x5];
	v0 =	vshll.u32 v0, $0x2  }
0xd1: {  	s13 =	rddreg [dreg:$0x4];
	v0 =	vor.u32 v1, v0  }
0xd2: {  	s14 =	rddreg [dreg:$0x3];
	[tilespmem:$0x880] =	vst v0  }
0xd3: {  	[tilespmem:s2], [sflag:$0x1] =	stream.indirect.gather [hbm4b:s14+s12], $0x80, s13, s12, $0xb8;
	[tilespmem:$0x980] =	vst v63  }
0xd4: {  	_ =	swait.ge [sflag:s8], $0x800  }
0xd5: {  	[sflag:s8] =	ssyncset.done $0x0  }
0xd6: {  	[sflag:s8] =	ssyncadd.s32 $0xFFFFF800  }
0xd7: {  	v0 =	vld [tilespmem:$0x0]  }
0xd8: {  	v2 =	vld [tilespmem:$0x10]  }
0xd9: {  	v7 =	vld [tilespmem:$0x20]  }
0xda: {  	v8 =	vld [tilespmem:$0x30]  }
0xdb: {  	v9 =	vld [tilespmem:$0x40]  }
0xdc: {  	v11 =	vimm.f32 $1.000000000e+10;
	v10 =	vld [tilespmem:$0x50]  }
0xdd: {  	v39 =	vmin.f32 v11, v0;
	v0 =	vld [tilespmem:$0x60];
	v40 =	vmin.f32 v11, v2  }
0xde: {  	v2 =	vld [tilespmem:$0x70];
	v41 =	vmin.f32 v11, v7;
	v12 =	vmax.f32 v39, v40  }
0xdf: {  	v7 =	vld [tilespmem:$0x80];
	v42 =	vmin.f32 v11, v8;
	v12 =	vmax.f32 v12, v41  }
0xe0: {  	v43 =	vmin.f32 v11, v9;
	v8 =	vld [tilespmem:$0x90];
	v9 =	vmax.f32 v12, v42  }
0xe1: {  	v44 =	vmin.f32 v11, v10;
	v12 =	vld [tilespmem:$0xA0];
	v9 =	vmax.f32 v9, v43  }
0xe2: {  	v10 =	vld [tilespmem:$0xB0];
	v9 =	vmax.f32 v9, v44;
	v45 =	vmin.f32 v11, v0  }
0xe3: {  	v0 =	vld [tilespmem:$0xC0];
	v46 =	vmin.f32 v11, v2;
	v9 =	vmax.f32 v9, v45  }
0xe4: {  	v2 =	vld [tilespmem:$0xD0];
	v47 =	vmin.f32 v11, v7;
	v9 =	vmax.f32 v9, v46  }
0xe5: {  	v7 =	vld [tilespmem:$0xE0];
	v48 =	vmin.f32 v11, v8;
	v9 =	vmax.f32 v9, v47  }
0xe6: {  	v8 =	vld [tilespmem:$0xF0];
	v49 =	vmin.f32 v11, v12;
	v9 =	vmax.f32 v9, v48  }
0xe7: {  	v50 =	vmin.f32 v11, v10;
	v12 =	vld [tilespmem:$0x100];
	v9 =	vmax.f32 v9, v49  }
0xe8: {  	v10 =	vld [tilespmem:$0x110];
	v51 =	vmin.f32 v11, v0;
	v9 =	vmax.f32 v9, v50  }
0xe9: {  	v0 =	vld [tilespmem:$0x120];
	v52 =	vmin.f32 v11, v2;
	v9 =	vmax.f32 v9, v51  }
0xea: {  	v2 =	vld [tilespmem:$0x130];
	v53 =	vmin.f32 v11, v7;
	v9 =	vmax.f32 v9, v52  }
0xeb: {  	v7 =	vld [tilespmem:$0x140];
	v54 =	vmin.f32 v11, v8;
	v9 =	vmax.f32 v9, v53  }
0xec: {  	v8 =	vld [tilespmem:$0x150];
	v55 =	vmin.f32 v11, v12;
	v9 =	vmax.f32 v9, v54  }
0xed: {  	v56 =	vmin.f32 v11, v10;
	v12 =	vld [tilespmem:$0x160];
	v9 =	vmax.f32 v9, v55  }
0xee: {  	v10 =	vld [tilespmem:$0x170];
	v57 =	vmin.f32 v11, v0;
	v9 =	vmax.f32 v9, v56  }
0xef: {  	v0 =	vld [tilespmem:$0x180];
	v58 =	vmin.f32 v11, v2;
	v9 =	vmax.f32 v9, v57  }
0xf0: {  	v2 =	vld [tilespmem:$0x190];
	v59 =	vmin.f32 v11, v7;
	v9 =	vmax.f32 v9, v58  }
0xf1: {  	v7 =	vld [tilespmem:$0x1A0];
	v60 =	vmin.f32 v11, v8;
	v9 =	vmax.f32 v9, v59  }
0xf2: {  	v8 =	vld [tilespmem:$0x1B0];
	v61 =	vmin.f32 v11, v12;
	v9 =	vmax.f32 v9, v60  }
0xf3: {  	v62 =	vmin.f32 v11, v10;
	v12 =	vld [tilespmem:$0x1C0];
	v9 =	vmax.f32 v9, v61  }
0xf4: {  	v10 =	vld [tilespmem:$0x1D0];
	v63 =	vmin.f32 v11, v0;
	v9 =	vmax.f32 v9, v62  }
0xf5: {  	v13 =	vld [tilespmem:$0x1E0];
	v0 =	vmin.f32 v11, v2;
	v9 =	vmax.f32 v9, v63  }
0xf6: {  	v14 =	vld [tilespmem:$0x1F0];
	v2 =	vmin.f32 v11, v7;
	v9 =	vmax.f32 v9, v0  }
0xf7: {  	v7 =	vmin.f32 v11, v8;
	v9 =	vmax.f32 v9, v2  }
0xf8: {  	v8 =	vmin.f32 v11, v12;
	v9 =	vmax.f32 v9, v7  }
0xf9: {  	v12 =	vmax.f32 v9, v8;
	v9 =	vmin.f32 v11, v10  }
0xfa: {  	v10 =	vmin.f32 v11, v13;
	v12 =	vmax.f32 v12, v9  }
0xfb: {  	v11 =	vmin.f32 v11, v14;
	v12 =	vmax.f32 v12, v10  }
0xfc: {  	v12 =	vmax.f32 v12, v11  }
0xfd: {  	v13 =	vperm.xlane v12, v24;
	_ =	sdelay $0x1  }
0xfe: {  	v12 =	vmax.f32 v12, v13  }
0xff: {  	v13 =	vperm.xlane v12, v4;
	_ =	sdelay $0x1  }
0x100: {  	v12 =	vmax.f32 v12, v13  }
0x101: {  	v13 =	vperm.xlane v12, v5;
	_ =	sdelay $0x1  }
0x102: {  	v12 =	vmax.f32 v12, v13  }
0x103: {  	v13 =	vperm.xlane v12, v6  }
0x104: {  	v1 =	vld [tilespmem:$0x1FF00]  }
0x105: {  	v12 =	vmax.f32 v12, v13  }
0x106: {  	vm0 =	veq.f32 v39, v12;
	vm1 =	veq.f32 v40, v12  }
0x107: {  	vm7 =	veq.f32 v41, v12;
	v13 =	vnsel vm0, $0x4A800000, v21;
	v14 =	vnsel vm1, $0x4A800000, v22  }
0x108: {  	vm8 =	veq.f32 v42, v12;
	v13 =	vmin.f32 v13, v14;
	v14 =	vnsel vm7, $0x4A800000, v38  }
0x109: {  	vm9 =	veq.f32 v43, v12;
	v13 =	vmin.f32 v13, v14;
	v14 =	vnsel vm8, $0x4A800000, v1  }
0x10a: {  	vm10 =	veq.f32 v44, v12;
	v13 =	vmin.f32 v13, v14;
	v14 =	vnsel vm9, $0x4A800000, v25  }
0x10b: {  	vm11 =	veq.f32 v45, v12;
	v13 =	vmin.f32 v13, v14;
	v14 =	vnsel vm10, $0x4A800000, v26  }
0x10c: {  	vm12 =	veq.f32 v46, v12;
	v13 =	vmin.f32 v13, v14;
	v14 =	vnsel vm11, $0x4A800000, v27  }
0x10d: {  	vm13 =	veq.f32 v47, v12;
	v13 =	vmin.f32 v13, v14;
	v14 =	vnsel vm12, $0x4A800000, v28  }
0x10e: {  	vm14 =	veq.f32 v48, v12;
	v13 =	vmin.f32 v13, v14;
	v14 =	vnsel vm13, $0x4A800000, v29  }
0x10f: {  	vm15 =	veq.f32 v49, v12;
	v13 =	vmin.f32 v13, v14;
	v14 =	vnsel vm14, $0x4A800000, v30  }
0x110: {  	vm4 =	veq.f32 v50, v12;
	v13 =	vmin.f32 v13, v14;
	v14 =	vnsel vm15, $0x4A800000, v19  }
0x111: {  	vm5 =	veq.f32 v51, v12;
	v13 =	vmin.f32 v13, v14;
	v14 =	vnsel vm4, $0x4A800000, v20  }
0x112: {  	vm6 =	veq.f32 v52, v12;
	v13 =	vmin.f32 v13, v14;
	v14 =	vnsel vm5, $0x4A800000, v33  }
0x113: {  	vm7 =	veq.f32 v53, v12;
	v13 =	vmin.f32 v13, v14;
	v14 =	vnsel vm6, $0x4A800000, v34  }
0x114: {  	vm8 =	veq.f32 v54, v12;
	v13 =	vmin.f32 v13, v14;
	v14 =	vnsel vm7, $0x4A800000, v35  }
0x115: {  	vm9 =	veq.f32 v55, v12;
	v13 =	vmin.f32 v13, v14;
	v14 =	vnsel vm8, $0x4A800000, v3  }
0x116: {  	vm10 =	veq.f32 v56, v12;
	v13 =	vmin.f32 v13, v14;
	v14 =	vnsel vm9, $0x4A800000, v37  }
0x117: {  	vm11 =	veq.f32 v57, v12;
	v13 =	vmin.f32 v13, v14;
	v14 =	vnsel vm10, $0x4A800000, v23  }
0x118: {  	v1 =	vld [tilespmem:$0x1FF10];
	vm12 =	veq.f32 v58, v12;
	v13 =	vmin.f32 v13, v14;
	v14 =	vnsel vm11, $0x4A800000, v31  }
0x119: {  	vm13 =	veq.f32 v59, v12;
	v13 =	vmin.f32 v13, v14;
	v14 =	vnsel vm12, $0x4A800000, v32  }
0x11a: {  	vm14 =	veq.f32 v60, v12;
	v13 =	vmin.f32 v13, v14;
	v14 =	vnsel vm13, $0x4A800000, v16  }
0x11b: {  	vm15 =	veq.f32 v61, v12;
	v13 =	vmin.f32 v13, v14;
	v14 =	vnsel vm14, $0x4A800000, v17  }
0x11c: {  	vm4 =	veq.f32 v62, v12;
	v13 =	vmin.f32 v13, v14;
	v14 =	vnsel vm15, $0x4A800000, v18  }
0x11d: {  	v13 =	vmin.f32 v13, v14;
	v14 =	vnsel vm4, $0x4A800000, v1;
	v1 =	vld [tilespmem:$0x1FF20];
	_ =	sdelay $0x3  }
0x11e: {  	vm5 =	veq.f32 v63, v12  }
0x11f: {  	v13 =	vmin.f32 v13, v14;
	v14 =	vnsel vm5, $0x4A800000, v1;
	v1 =	vld [tilespmem:$0x1FF30];
	_ =	sdelay $0x3  }
0x120: {  	vm6 =	veq.f32 v0, v12  }
0x121: {  	v13 =	vmin.f32 v13, v14;
	v14 =	vnsel vm6, $0x4A800000, v1;
	v1 =	vld [tilespmem:$0x1FF40];
	_ =	sdelay $0x3  }
0x122: {  	vm7 =	veq.f32 v2, v12  }
0x123: {  	v13 =	vmin.f32 v13, v14;
	v14 =	vnsel vm7, $0x4A800000, v1;
	v1 =	vld [tilespmem:$0x1FF50];
	_ =	sdelay $0x3  }
0x124: {  	vm8 =	veq.f32 v7, v12  }
0x125: {  	v13 =	vmin.f32 v13, v14;
	v14 =	vnsel vm8, $0x4A800000, v1;
	v1 =	vld [tilespmem:$0x1FF60];
	_ =	sdelay $0x3  }
0x126: {  	vm9 =	veq.f32 v8, v12  }
0x127: {  	v13 =	vmin.f32 v13, v14;
	v14 =	vnsel vm9, $0x4A800000, v1;
	v1 =	vld [tilespmem:$0x1FF70];
	_ =	sdelay $0x3  }
0x128: {  	vm10 =	veq.f32 v9, v12  }
0x129: {  	v13 =	vmin.f32 v13, v14;
	v14 =	vnsel vm10, $0x4A800000, v1;
	v1 =	vld [tilespmem:$0x1FF80];
	_ =	sdelay $0x3  }
0x12a: {  	vm11 =	veq.f32 v10, v12  }
0x12b: {  	vm12 =	veq.f32 v11, v12;
	v12 =	vmin.f32 v13, v14;
	v13 =	vnsel vm11, $0x4A800000, v1;
	v1 =	vld [tilespmem:$0x1FF90];
	_ =	sdelay $0x4  }
0x12c: {  	v12 =	vmin.f32 v12, v13;
	v13 =	vnsel vm12, $0x4A800000, v1  }
0x12d: {  	v12 =	vmin.f32 v12, v13  }
0x12e: {  	v13 =	vperm.xlane v12, v24;
	_ =	sdelay $0x1  }
0x12f: {  	v12 =	vmin.f32 v12, v13  }
0x130: {  	s29 =	simm.s32 $0xFFFFFFF0;
	v13 =	vperm.xlane v12, v4  }
0x131: {  	v16 =	vmov s29;
	v14 =	vmov s11  }
0x132: {  	s30 =	simm.s32 $0xFFFFFFE0;
	v17 =	vimm.s32 $0x0;
	vm13 =	veq.s32 v14, v36;
	v14 =	vmin.f32 v12, v13  }
0x133: {  	s31 =	simm.s32 $0xFFFFFFD0;
	vm14 =	veq.s32 v16, v36;
	v13 =	vmov s30;
	v16 =	vperm.xlane v14, v5  }
0x134: {  	v12 =	vsel vm13, v15, v17;
	vm15 =	veq.s32 v13, v36;
	v13 =	vmov s31  }
0x135: {  	vm2 =	veq.s32 v13, v36;
	v13 =	vsel vm15, v15, v17;
	v16 =	vmin.f32 v14, v16  }
0x136: {  	s11 =	simm.s32 $0x1;
	v14 =	vsel vm2, v15, v17;
	v15 =	vsel vm14, v15, v17;
	v17 =	vperm.xlane v16, v6  }
.LBB2_3:
0x137: {  	v1 =	vld [tilespmem:$0x1FEE0]  }
0x138: {  	v16 =	vmin.f32 v16, v17  }
0x139: {  	v16 =	vtrunc.f32 v16  }
0x13a: {  	v16 =	vcvt.f32.s32 v16  }
0x13b: {  	v6 =	vmov v5  }
0x13c: {  	v5 =	vmovc v4;
	v4 =	vmovc v24;
	v24 =	vmov v35;
	v35 =	vmov v19;
	v19 =	vadd.s32 v1, v16;
	v1 =	vld [tilespmem:$0x1FEF0]  }
0x13d: {  	s12 =	smov.u32 s11  }
0x13e: {  	v17 =	vmov s12;
	s29 =	sadd.s32 $0xFFFFFFE0, s12  }
0x13f: {  	vm0 =	veq.s32 v17, v36;
	v17 =	vmov s29  }
0x140: {  	s30 =	rddreg [dreg:$0x5];
	vm7 =	veq.s32 v17, v36;
	v17 =	vshll.u32 v19, $0x2  }
0x141: {  	s31 =	rddreg [dreg:$0x4];
	v17 =	vor.u32 v1, v17  }
0x142: {  	s14 =	rddreg [dreg:$0x3];
	[tilespmem:$0x880] =	vst v17  }
0x143: {  	[tilespmem:s2], [sflag:$0x1] =	stream.indirect.gather [hbm4b:s14+s30], $0x80, s31, s30, $0xb8;
	[tilespmem:$0x980] =	vst v63  }
0x144: {  	_ =	swait.ge [sflag:s8], $0x800  }
0x145: {  	s13 =	sadd.s32 $0xFFFFFFF0, s12;
	[sflag:s8] =	ssyncset.done $0x0  }
0x146: {  	s12 =	sadd.s32 $0xFFFFFFD0, s12;
	v18 =	vmov s13;
	[sflag:s8] =	ssyncadd.s32 $0xFFFFF800  }
0x147: {  	vm1 =	veq.s32 v18, v36;
	v18 =	vmov s12;
	v17 =	vld [tilespmem:$0x0]  }
0x148: {  	vm2 =	veq.s32 v18, v36;
	v12 =	vsel vm0, v16, v12;
	v18 =	vld [tilespmem:$0x10]  }
0x149: {  	v13 =	vsel vm7, v16, v13;
	v14 =	vsel vm2, v16, v14;
	v15 =	vsel vm1, v16, v15;
	v16 =	vld [tilespmem:$0x20]  }
0x14a: {  	v19 =	vld [tilespmem:$0x30]  }
0x14b: {  	v36 =	vmov v20;
	v20 =	vld [tilespmem:$0x40]  }
0x14c: {  	v1 =	vmovc v37;
	v37 =	vmovc v33;
	v33 =	vmov v29;
	v29 =	vmov v25;
	v25 =	vmov v21;
	v21 =	vld [tilespmem:$0x50]  }
0x14d: {  	v31 =	vmovc v27;
	v27 =	vmovc v38;
	v38 =	vmov v34;
	v39 =	vmin.f32 v39, v17;
	v17 =	vld [tilespmem:$0x60];
	v40 =	vmin.f32 v40, v18  }
0x14e: {  	v34 =	vmovc v30;
	v30 =	vmovc v26;
	v26 =	vmov v22;
	v18 =	vld [tilespmem:$0x70];
	v41 =	vmin.f32 v41, v16;
	v22 =	vmax.f32 v39, v40  }
0x14f: {  	v16 =	vld [tilespmem:$0x80];
	v42 =	vmin.f32 v42, v19;
	v22 =	vmax.f32 v22, v41  }
0x150: {  	v43 =	vmin.f32 v43, v20;
	v19 =	vld [tilespmem:$0x90];
	v20 =	vmax.f32 v22, v42  }
0x151: {  	v44 =	vmin.f32 v44, v21;
	v22 =	vld [tilespmem:$0xA0];
	v20 =	vmax.f32 v20, v43  }
0x152: {  	v21 =	vld [tilespmem:$0xB0];
	v20 =	vmax.f32 v20, v44;
	v45 =	vmin.f32 v45, v17  }
0x153: {  	v17 =	vld [tilespmem:$0xC0];
	v46 =	vmin.f32 v46, v18;
	v20 =	vmax.f32 v20, v45  }
0x154: {  	v18 =	vld [tilespmem:$0xD0];
	v47 =	vmin.f32 v47, v16;
	v20 =	vmax.f32 v20, v46  }
0x155: {  	v16 =	vld [tilespmem:$0xE0];
	v48 =	vmin.f32 v48, v19;
	v20 =	vmax.f32 v20, v47  }
0x156: {  	v19 =	vld [tilespmem:$0xF0];
	v49 =	vmin.f32 v49, v22;
	v20 =	vmax.f32 v20, v48  }
0x157: {  	v50 =	vmin.f32 v50, v21;
	v22 =	vld [tilespmem:$0x100];
	v20 =	vmax.f32 v20, v49  }
0x158: {  	v21 =	vld [tilespmem:$0x110];
	v51 =	vmin.f32 v51, v17;
	v20 =	vmax.f32 v20, v50  }
0x159: {  	v17 =	vld [tilespmem:$0x120];
	v52 =	vmin.f32 v52, v18;
	v20 =	vmax.f32 v20, v51  }
0x15a: {  	v18 =	vld [tilespmem:$0x130];
	v53 =	vmin.f32 v53, v16;
	v20 =	vmax.f32 v20, v52  }
0x15b: {  	v16 =	vld [tilespmem:$0x140];
	v54 =	vmin.f32 v54, v19;
	v20 =	vmax.f32 v20, v53  }
0x15c: {  	v19 =	vld [tilespmem:$0x150];
	v55 =	vmin.f32 v55, v22;
	v20 =	vmax.f32 v20, v54  }
0x15d: {  	v56 =	vmin.f32 v56, v21;
	v22 =	vld [tilespmem:$0x160];
	v20 =	vmax.f32 v20, v55  }
0x15e: {  	v21 =	vld [tilespmem:$0x170];
	v57 =	vmin.f32 v57, v17;
	v20 =	vmax.f32 v20, v56  }
0x15f: {  	v17 =	vld [tilespmem:$0x180];
	v58 =	vmin.f32 v58, v18;
	v20 =	vmax.f32 v20, v57  }
0x160: {  	v18 =	vld [tilespmem:$0x190];
	v59 =	vmin.f32 v59, v16;
	v20 =	vmax.f32 v20, v58  }
0x161: {  	v16 =	vld [tilespmem:$0x1A0];
	v60 =	vmin.f32 v60, v19;
	v20 =	vmax.f32 v20, v59  }
0x162: {  	v19 =	vld [tilespmem:$0x1B0];
	v61 =	vmin.f32 v61, v22;
	v20 =	vmax.f32 v20, v60  }
0x163: {  	v62 =	vmin.f32 v62, v21;
	v22 =	vld [tilespmem:$0x1C0];
	v20 =	vmax.f32 v20, v61  }
0x164: {  	v21 =	vld [tilespmem:$0x1D0];
	v63 =	vmin.f32 v63, v17;
	v20 =	vmax.f32 v20, v62  }
0x165: {  	v17 =	vld [tilespmem:$0x1E0];
	v0 =	vmin.f32 v0, v18;
	v20 =	vmax.f32 v20, v63  }
0x166: {  	v18 =	vld [tilespmem:$0x1F0];
	v2 =	vmin.f32 v2, v16;
	v20 =	vmax.f32 v20, v0  }
0x167: {  	v7 =	vmin.f32 v7, v19;
	v16 =	vmax.f32 v20, v2  }
0x168: {  	v8 =	vmin.f32 v8, v22;
	v16 =	vmax.f32 v16, v7  }
0x169: {  	v9 =	vmin.f32 v9, v21;
	v16 =	vmax.f32 v16, v8  }
0x16a: {  	v10 =	vmin.f32 v10, v17;
	v16 =	vmax.f32 v16, v9  }
0x16b: {  	v11 =	vmin.f32 v11, v18;
	v16 =	vmax.f32 v16, v10  }
0x16c: {  	v19 =	vmovc v35;
	v35 =	vmov v24;
	v24 =	vmov v4;
	v16 =	vmax.f32 v16, v11  }
0x16d: {  	v17 =	vperm.xlane v16, v24;
	_ =	sdelay $0x1  }
0x16e: {  	v4 =	vmov v5;
	v16 =	vmax.f32 v16, v17  }
0x16f: {  	v17 =	vperm.xlane v16, v4  }
0x170: {  	v5 =	vmov v6;
	v6 =	vld [tilespmem:$0x1FFA0]  }
0x171: {  	v16 =	vmax.f32 v16, v17  }
0x172: {  	v17 =	vperm.xlane v16, v5;
	_ =	sdelay $0x1  }
0x173: {  	v16 =	vmax.f32 v16, v17  }
0x174: {  	v17 =	vperm.xlane v16, v6  }
0x175: {  	v32 =	vmov v28;
	v28 =	vld [tilespmem:$0x1FF00]  }
0x176: {  	v16 =	vmax.f32 v16, v17  }
0x177: {  	v21 =	vmovc v25;
	v22 =	vmov v26;
	vm8 =	veq.f32 v39, v16;
	vm9 =	veq.f32 v40, v16  }
0x178: {  	vm11 =	veq.f32 v41, v16;
	v17 =	vnsel vm8, $0x4A800000, v21;
	v18 =	vnsel vm9, $0x4A800000, v22  }
0x179: {  	vm12 =	veq.f32 v42, v16;
	v17 =	vmin.f32 v17, v18;
	v18 =	vnsel vm11, $0x4A800000, v27  }
0x17a: {  	v25 =	vmovc v29;
	vm10 =	veq.f32 v43, v16;
	v17 =	vmin.f32 v17, v18;
	v18 =	vnsel vm12, $0x4A800000, v28  }
0x17b: {  	v26 =	vmovc v30;
	vm13 =	veq.f32 v44, v16;
	v17 =	vmin.f32 v17, v18;
	v18 =	vnsel vm10, $0x4A800000, v25  }
0x17c: {  	vm14 =	veq.f32 v45, v16;
	v17 =	vmin.f32 v17, v18;
	v18 =	vnsel vm13, $0x4A800000, v26  }
0x17d: {  	vm15 =	veq.f32 v46, v16;
	v17 =	vmin.f32 v17, v18;
	v18 =	vnsel vm14, $0x4A800000, v31  }
0x17e: {  	v29 =	vmovc v33;
	vm4 =	veq.f32 v47, v16;
	v17 =	vmin.f32 v17, v18;
	v18 =	vnsel vm15, $0x4A800000, v32  }
0x17f: {  	v30 =	vmovc v34;
	vm5 =	veq.f32 v48, v16;
	v17 =	vmin.f32 v17, v18;
	v18 =	vnsel vm4, $0x4A800000, v29  }
0x180: {  	vm6 =	veq.f32 v49, v16;
	v17 =	vmin.f32 v17, v18;
	v18 =	vnsel vm5, $0x4A800000, v30  }
0x181: {  	v20 =	vmovc v36;
	vm7 =	veq.f32 v50, v16;
	v17 =	vmin.f32 v17, v18;
	v18 =	vnsel vm6, $0x4A800000, v19  }
0x182: {  	v33 =	vmovc v37;
	vm8 =	veq.f32 v51, v16;
	v17 =	vmin.f32 v17, v18;
	v18 =	vnsel vm7, $0x4A800000, v20  }
0x183: {  	v34 =	vmovc v38;
	vm9 =	veq.f32 v52, v16;
	v17 =	vmin.f32 v17, v18;
	v18 =	vnsel vm8, $0x4A800000, v33  }
0x184: {  	vm10 =	veq.f32 v53, v16;
	v17 =	vmin.f32 v17, v18;
	v18 =	vnsel vm9, $0x4A800000, v34  }
0x185: {  	v38 =	vmovc v27;
	v27 =	vmovc v31;
	vm11 =	veq.f32 v54, v16;
	v31 =	vld [tilespmem:$0x1FFB0];
	v17 =	vmin.f32 v17, v18;
	v18 =	vnsel vm10, $0x4A800000, v35  }
0x186: {  	v28 =	vmovc v32;
	vm12 =	veq.f32 v55, v16;
	v32 =	vld [tilespmem:$0x1FFC0];
	v17 =	vmin.f32 v17, v18;
	v18 =	vnsel vm11, $0x4A800000, v3  }
0x187: {  	v37 =	vmov v1;
	v17 =	vmin.f32 v17, v18;
	v18 =	vnsel vm12, $0x4A800000, v1;
	v1 =	vld [tilespmem:$0x1FFE0]  }
0x188: {  	vm13 =	veq.f32 v56, v16  }
0x189: {  	vm14 =	veq.f32 v57, v16;
	v17 =	vmin.f32 v17, v18;
	v18 =	vnsel vm13, $0x4A800000, v23  }
0x18a: {  	vm15 =	veq.f32 v58, v16;
	v17 =	vmin.f32 v17, v18;
	v18 =	vnsel vm14, $0x4A800000, v31  }
0x18b: {  	vm4 =	veq.f32 v59, v16;
	v17 =	vmin.f32 v17, v18;
	v18 =	vnsel vm15, $0x4A800000, v32  }
0x18c: {  	v17 =	vmin.f32 v17, v18;
	v18 =	vnsel vm4, $0x4A800000, v1;
	v1 =	vld [tilespmem:$0x1FFD0];
	_ =	sdelay $0x3  }
0x18d: {  	vm5 =	veq.f32 v60, v16  }
0x18e: {  	v17 =	vmin.f32 v17, v18;
	v18 =	vnsel vm5, $0x4A800000, v1;
	v1 =	vld [tilespmem:$0x1FFF0];
	_ =	sdelay $0x3  }
0x18f: {  	vm6 =	veq.f32 v61, v16  }
0x190: {  	v17 =	vmin.f32 v17, v18;
	v18 =	vnsel vm6, $0x4A800000, v1;
	v1 =	vld [tilespmem:$0x1FF10];
	_ =	sdelay $0x3  }
0x191: {  	vm7 =	veq.f32 v62, v16  }
0x192: {  	v17 =	vmin.f32 v17, v18;
	v18 =	vnsel vm7, $0x4A800000, v1;
	v1 =	vld [tilespmem:$0x1FF20];
	_ =	sdelay $0x3  }
0x193: {  	vm8 =	veq.f32 v63, v16  }
0x194: {  	v17 =	vmin.f32 v17, v18;
	v18 =	vnsel vm8, $0x4A800000, v1;
	v1 =	vld [tilespmem:$0x1FF30];
	_ =	sdelay $0x3  }
0x195: {  	vm9 =	veq.f32 v0, v16  }
0x196: {  	v17 =	vmin.f32 v17, v18;
	v18 =	vnsel vm9, $0x4A800000, v1;
	v1 =	vld [tilespmem:$0x1FF40];
	_ =	sdelay $0x3  }
0x197: {  	vm10 =	veq.f32 v2, v16  }
0x198: {  	v17 =	vmin.f32 v17, v18;
	v18 =	vnsel vm10, $0x4A800000, v1;
	v1 =	vld [tilespmem:$0x1FF50];
	_ =	sdelay $0x3  }
0x199: {  	vm11 =	veq.f32 v7, v16  }
0x19a: {  	v17 =	vmin.f32 v17, v18;
	v18 =	vnsel vm11, $0x4A800000, v1;
	v1 =	vld [tilespmem:$0x1FF60];
	_ =	sdelay $0x3  }
0x19b: {  	vm12 =	veq.f32 v8, v16  }
0x19c: {  	v17 =	vmin.f32 v17, v18;
	v18 =	vnsel vm12, $0x4A800000, v1;
	v1 =	vld [tilespmem:$0x1FF70];
	_ =	sdelay $0x3  }
0x19d: {  	vm13 =	veq.f32 v9, v16  }
0x19e: {  	v17 =	vmin.f32 v17, v18;
	v18 =	vnsel vm13, $0x4A800000, v1;
	v1 =	vld [tilespmem:$0x1FF80];
	_ =	sdelay $0x3  }
0x19f: {  	vm14 =	veq.f32 v10, v16  }
0x1a0: {  	vm15 =	veq.f32 v11, v16;
	v16 =	vmin.f32 v17, v18;
	v17 =	vnsel vm14, $0x4A800000, v1;
	v1 =	vld [tilespmem:$0x1FF90];
	_ =	sdelay $0x4  }
0x1a1: {  	v16 =	vmin.f32 v16, v17;
	v17 =	vnsel vm15, $0x4A800000, v1  }
0x1a2: {  	v16 =	vmin.f32 v16, v17  }
0x1a3: {  	v17 =	vperm.xlane v16, v24;
	_ =	sdelay $0x1  }
0x1a4: {  	v16 =	vmin.f32 v16, v17  }
0x1a5: {  	v17 =	vperm.xlane v16, v4  }
0x1a6: {  	p0 =	sne.s32 s11, $0x3F  }
.Ltmp1:
0x1a7: {  	v16 =	vmin.f32 v16, v17;
	(pc) =	sbr.rel @p0 .LBB2_3-.Ltmp1, $3  }
0x1a8: {  	v17 =	vperm.xlane v16, v5;
	_ =	sdelay $0x1  }
0x1a9: {  	v16 =	vmin.f32 v16, v17  }
0x1aa: {  	s11 =	sadd.s32 $0x1, s11;
	v36 =	vlaneseq.u32;
	v17 =	vperm.xlane v16, v6  }
0x1ab: {  	[tilespmem:$0x900] =	vst v12  }
0x1ac: {  	[tilespmem:$0x910] =	vst v15  }
0x1ad: {  	[tilespmem:$0x920] =	vst v13  }
0x1ae: {  	[tilespmem:$0x930] =	vst v14;
	s10 =	sadd.s32 $0x1, s10  }
0x1af: {  	[hbm4b:s3+s2] =	stream.linear.scatter [tilespmem:s9], [sflag:$0x2], $0x80, $0x38;
	[tilespmem:$0x980] =	vst v63  }
0x1b0: {  	p0 =	sne.s32 s10, s5  }
.Ltmp2:
0x1b1: {  	_ = 	snop;
	(pc) =	sbr.rel @p0 .LBB2_2-.Ltmp2, $4  }
0x1b2: {  	_ =	swait.ge [sflag:s7], $0x80  }
0x1b3: {  	v16 =	vld [tilespmem:$0x1FFE0]  }
0x1b4: {  	[sflag:s7] =	ssyncset.done $0x0;
	v17 =	vld [tilespmem:$0x1FFD0]  }
0x1b5: {  	v18 =	vld [tilespmem:$0x1FFF0];
	[sflag:s7] =	ssyncadd.s32 $0xFFFFFF80  }
.LBB2_5:
0x1b6: {  	_ =	sfence.sel $0x180000  }
0x1b7: {  	[bflag:$0x0] =	sbarrier.arrive $0xFFFF  }
0x1b8: {  	p0 =	sne.s32 s1, $0x0;
	_ =	strace $0x90000047  }
0x1b9: {  	s0 =	sadd.s32 @!p0 $0x100000, s0;
	[bflag:$0x2] =	sbarrier.arrive $0xFFFF  }
0x1ba: {  	[sflag:s0] =	ssyncadd.tile.s32 @!p0 $0x1;
	_ =	shalt  }
.Lfunc_end2:
_tile_overlayer_lowered:
.L_overlay_start_2:
0x1bb: {  	(tag) =	ssettag $0x2  }
0x1bc: {  	s0 =	rddreg [dreg:$0x0];
	s2 =	stileid.u32  }
0x1bd: {  	s1 =	rddreg [dreg:$0x1];
	p0 =	sne.s32 s2, $0x0  }
0x1be: {  	s3 =	rddreg [dreg:$0x2];
	[bflag:$0x3] =	sbarrier.arrive $0xFFFF;
	s2 =	simm.s32 @!p0 $0x1C02  }
0x1bf: {  	[timem:s3], [sflag:s2] =	dma.local @!p0 [hbm:s0], s1  }
0x1c0: {  	s0 =	simm.s32 @!p0 $0x2  }
0x1c1: {  	_ =	swait.ge @!p0 [sflag:s0], s1  }
0x1c2: {  	s1 =	ssub.s32 @!p0 $0x0, s1;
	[sflag:s0] =	ssyncset.done @!p0 $0x0  }
0x1c3: {  	[sflag:s0] =	ssyncadd.s32 @!p0 s1  }
0x1c4: {  	[bflag:$0x3] =	sbarrier.arrive $0xFFFF  }
0x1c5: {  	_ =	shalt  }

</sc_bundles>
